<compile_context>
chip_gen: v7x
topology: tpu7x:2x2x1
jax: 0.10.2.dev20260603
libtpu: 0.0.44.dev20260713+nightly
codegen_flags: <defaults>
</compile_context>

<pallas_src>
import functools

import jax
import jax.numpy as jnp
from jax import lax
from jax.experimental import pallas as pl
from jax.experimental.pallas import tpu as pltpu
from jax.experimental.pallas import tpu_sc as plsc

_BOOST = 3.0
_NBI = 64
_CB = 8
_L = 16


@functools.lru_cache(maxsize=None)
def _build_gather(NB, S, V, D, nc, ns):
    NW = nc * ns
    assert NB % NW == 0
    nb = NB // NW
    assert nb % _NBI == 0 and _NBI % (2 * _CB) == 0
    mesh = plsc.VectorSubcoreMesh(
        core_axis_name="c", subcore_axis_name="s", num_cores=nc, num_subcores=ns
    )

    @functools.partial(
        pl.kernel,
        out_type=jax.ShapeDtypeStruct((NB, S, D), jnp.float32),
        mesh=mesh,
        scratch_types=[
            pltpu.SMEM((_NBI * S,), jnp.int32),
            pltpu.VMEM((_NBI * S,), jnp.int32),
            pltpu.VMEM_SHARED((ns * _NBI * S,), jnp.int32),
            pltpu.VMEM((_CB * S, D), jnp.float32),
            pltpu.VMEM((_CB * S, D), jnp.float32),
            pltpu.VMEM((_CB, S, D), jnp.float32),
            pltpu.SemaphoreType.DMA,
            pltpu.SemaphoreType.DMA,
        ],
    )
    def k(x_hbm, w_hbm, out_hbm, idx_s, idx_v, idx_sh, fb0, fb1, ost, s0, s1):
        sid = lax.axis_index("s")
        wid = sid * nc + lax.axis_index("c")
        base = wid * nb
        fbs = (fb0, fb1)
        sems = (s0, s1)

        def gather_start(cc, slot):
            @pl.loop(0, _CB * S)
            def _(r):
                idx = idx_s[cc * _CB * S + r]
                pltpu.async_copy(
                    w_hbm.at[pl.ds(idx, 1)],
                    fbs[slot].at[pl.ds(r, 1)],
                    sems[slot],
                )

        def gather_wait(slot):
            pltpu.make_async_copy(
                w_hbm.at[pl.ds(0, _CB * S)], fbs[slot], sems[slot]
            ).wait()

        def compact_scale(slot):
            fb = fbs[slot]

            @plsc.parallel_loop(0, _CB * S, 1, unroll=2)
            def _(r):
                j = r // S
                s = r % S
                for c in range(D // _L):
                    ost[j, s, pl.ds(c * _L, _L)] = (
                        fb[r, pl.ds(c * _L, _L)] * _BOOST
                    )

        def flush(b0):
            pltpu.sync_copy(ost, out_hbm.at[pl.ds(b0, _CB)])

        @pl.loop(0, nb // _NBI)
        def _(ib):
            blk = base + ib * _NBI
            sh = idx_sh.at[pl.ds(sid * _NBI * S, _NBI * S)]
            pltpu.sync_copy(x_hbm.at[pl.ds(blk * S, _NBI * S)], idx_v)
            pltpu.sync_copy(idx_v, sh)
            pltpu.sync_copy(sh, idx_s)
            pltpu.sync_copy(sh, idx_s)
            gather_start(0, 0)

            @pl.loop(0, _NBI // _CB, step=2)
            def _(h):
                gather_start(h + 1, 1)
                gather_wait(0)
                compact_scale(0)
                flush(blk + h * _CB)

                @pl.when(h + 2 < _NBI // _CB)
                def _():
                    gather_start(h + 2, 0)

                gather_wait(1)
                compact_scale(1)
                flush(blk + (h + 1) * _CB)

    return k


def kernel(x, weight):
    V, D = weight.shape
    NB, S = x.shape
    info = plsc.get_sparse_core_info()
    nc, ns = info.num_cores, info.num_subcores
    return _build_gather(NB, S, V, D, nc, ns)(x.reshape(-1), weight)

# --- scband reference (transcript-rebuilt; emitter-appended) ---
"""Pipeline reference for scband-scaled-embedding-18090402251188 (READ-ONLY COPY).

The authoritative reference and input builder live on the scoring server;
editing this copy changes nothing except your own understanding.
"""

import jax, jax.numpy as jnp
import numpy as np

NUM_EMBEDDINGS = 1000000
EMBEDDING_DIM = 64
SCALE = 1.0
BOOST = 3.0


def setup_inputs(seed: int = 0) -> dict:
    key = jax.random.key(seed)
    k_idx, k_w = jax.random.split(key)
    x = jax.random.randint(k_idx, (16384, 26), 0, NUM_EMBEDDINGS, dtype=jnp.int64 if jax.config.jax_enable_x64 else jnp.int32)
    # nn.Embedding initializes weight ~ N(0,1); module scales by scale/boost at init
    weight = jax.random.normal(k_w, (NUM_EMBEDDINGS, EMBEDDING_DIM), dtype=jnp.float32) * (SCALE / BOOST)
    return {"x": x, "weight": weight}


def reference(x, weight):
    # forward: embedding(x) * boost
    return jnp.take(weight, x, axis=0) * BOOST

if __name__ == "__main__":
    import jax
    _d = setup_inputs()
    print(jax.jit(kernel)(*tuple(_d.values())))

</pallas_src>

<mosaic_0001>
#map = affine_map<(d0, d1) -> (0)>
#map1 = affine_map<(d0, d1) -> (0, 0)>
#map2 = affine_map<(d0, d1) -> (0, 0, 0)>
module attributes {stable_mosaic.version = 14 : i64} {
  func.func @k(%arg0: i32, %arg1: i32, %arg2: memref<425984xi32, #tpu.memory_space<hbm>>, %arg3: memref<1000000x64xf32, #tpu.memory_space<hbm>>, %arg4: memref<16384x26x64xf32, #tpu.memory_space<hbm>>, %arg5: memref<1664xi32, #tpu.memory_space<smem>>, %arg6: memref<1664xi32, #tpu.memory_space<vmem>>, %arg7: memref<26624xi32, #tpu.memory_space<vmem_shared>>, %arg8: memref<208x64xf32, #tpu.memory_space<vmem>>, %arg9: memref<208x64xf32, #tpu.memory_space<vmem>>, %arg10: memref<8x26x64xf32, #tpu.memory_space<vmem>>, %arg11: memref<!tpu.dma_semaphore, #tpu.memory_space<semaphore_mem>>, %arg12: memref<!tpu.dma_semaphore, #tpu.memory_space<semaphore_mem>>) attributes {dimension_semantics = [#tpu.dimension_semantics<core_parallel>, #tpu.dimension_semantics<subcore_parallel>], iteration_bounds = array<i64: 2, 16>, scalar_prefetch = 0 : i64, scratch_operands = 8 : i64, tpu.core_type = #tpu.core_type<sc_vector_subcore>, window_params = [{transform_indices = #map}, {transform_indices = #map1}, {transform_indices = #map2}]} {
    %mul3A = arith.constant 2 : i32
    %mul3A_0 = arith.muli %arg1, %mul3A : i32
    %add3A = arith.addi %mul3A_0, %arg0 : i32
    %mul3A_1 = arith.constant 512 : i32
    %mul3A_2 = arith.muli %add3A, %mul3A_1 : i32
    %scan3A = arith.constant 0 : i32
    %scan3A_3 = arith.constant 8 : i32
    %scan3A_4 = arith.addi %scan3A, %scan3A_3 : i32
    %scan3A_5 = arith.constant 1 : i32
    scf.for %scan3A_7 = %scan3A to %scan3A_4 step %scan3A_5  : i32 {
      %mul3A_8 = arith.constant 1 : i32
      %mul3A_9 = arith.muli %scan3A_7, %mul3A_8 : i32
      %add3A_10 = arith.constant 0 : i32
      %add3A_11 = arith.addi %add3A_10, %mul3A_9 : i32
      %mul3A_12 = arith.constant 64 : i32
      %mul3A_13 = arith.muli %add3A_11, %mul3A_12 : i32
      %add3A_14 = arith.addi %mul3A_2, %mul3A_13 : i32
      %mul3A_15 = arith.constant 64 : i32
      %mul3A_16 = arith.muli %arg1, %mul3A_15 : i32
      %mul3A_17 = arith.constant 26 : i32
      %mul3A_18 = arith.muli %mul3A_16, %mul3A_17 : i32
      %mul3A_19 = arith.constant 26 : i32
      %mul3A_20 = arith.muli %add3A_14, %mul3A_19 : i32
      "tpu.region"() ({
        %run_scoped3A = tpu.sem_alloc : memref<!tpu.dma_semaphore, #tpu.memory_space<semaphore_mem>>
        %dma_start3A = tpu.memref_slice %arg2[%mul3A_20] : memref<425984xi32, #tpu.memory_space<hbm>> -> memref<1664xi32, #tpu.memory_space<hbm>>
        %dma_start3A_31 = tpu.memref_slice %arg2[%mul3A_20] : memref<425984xi32, #tpu.memory_space<hbm>> -> memref<1664xi32, #tpu.memory_space<hbm>>
        tpu.enqueue_dma source(%dma_start3A_31 : memref<1664xi32, #tpu.memory_space<hbm>>) target(%arg6 : memref<1664xi32, #tpu.memory_space<vmem>>) target_semaphore(%run_scoped3A : memref<!tpu.dma_semaphore, #tpu.memory_space<semaphore_mem>>)
        %dma_wait3A = tpu.memref_slice %arg2[%mul3A_20] : memref<425984xi32, #tpu.memory_space<hbm>> -> memref<1664xi32, #tpu.memory_space<hbm>>
        %dma_wait3A_32 = tpu.memref_slice %arg2[%mul3A_20] : memref<425984xi32, #tpu.memory_space<hbm>> -> memref<1664xi32, #tpu.memory_space<hbm>>
        tpu.wait_dma2 semaphore(%run_scoped3A : memref<!tpu.dma_semaphore, #tpu.memory_space<semaphore_mem>>) src(%dma_wait3A_32 : memref<1664xi32, #tpu.memory_space<hbm>>) dst(%arg6 : memref<1664xi32, #tpu.memory_space<vmem>>)
        tpu.yield
      }) : () -> ()
      "tpu.region"() ({
        %run_scoped3A = tpu.sem_alloc : memref<!tpu.dma_semaphore, #tpu.memory_space<semaphore_mem>>
        %dma_start3A = tpu.memref_slice %arg7[%mul3A_18] : memref<26624xi32, #tpu.memory_space<vmem_shared>> -> memref<1664xi32, #tpu.memory_space<vmem_shared>>
        %dma_start3A_31 = tpu.memref_slice %arg7[%mul3A_18] : memref<26624xi32, #tpu.memory_space<vmem_shared>> -> memref<1664xi32, #tpu.memory_space<vmem_shared>>
        tpu.enqueue_dma source(%arg6 : memref<1664xi32, #tpu.memory_space<vmem>>) target(%dma_start3A_31 : memref<1664xi32, #tpu.memory_space<vmem_shared>>) target_semaphore(%run_scoped3A : memref<!tpu.dma_semaphore, #tpu.memory_space<semaphore_mem>>)
        %dma_wait3A = tpu.memref_slice %arg7[%mul3A_18] : memref<26624xi32, #tpu.memory_space<vmem_shared>> -> memref<1664xi32, #tpu.memory_space<vmem_shared>>
        %dma_wait3A_32 = tpu.memref_slice %arg7[%mul3A_18] : memref<26624xi32, #tpu.memory_space<vmem_shared>> -> memref<1664xi32, #tpu.memory_space<vmem_shared>>
        tpu.wait_dma2 semaphore(%run_scoped3A : memref<!tpu.dma_semaphore, #tpu.memory_space<semaphore_mem>>) src(%arg6 : memref<1664xi32, #tpu.memory_space<vmem>>) dst(%dma_wait3A_32 : memref<1664xi32, #tpu.memory_space<vmem_shared>>)
        tpu.yield
      }) : () -> ()
      "tpu.region"() ({
        %run_scoped3A = tpu.sem_alloc : memref<!tpu.dma_semaphore, #tpu.memory_space<semaphore_mem>>
        %dma_start3A = tpu.memref_slice %arg7[%mul3A_18] : memref<26624xi32, #tpu.memory_space<vmem_shared>> -> memref<1664xi32, #tpu.memory_space<vmem_shared>>
        tpu.enqueue_dma source(%dma_start3A : memref<1664xi32, #tpu.memory_space<vmem_shared>>) target(%arg5 : memref<1664xi32, #tpu.memory_space<smem>>) target_semaphore(%run_scoped3A : memref<!tpu.dma_semaphore, #tpu.memory_space<semaphore_mem>>)
        %dma_wait3A = tpu.memref_slice %arg7[%mul3A_18] : memref<26624xi32, #tpu.memory_space<vmem_shared>> -> memref<1664xi32, #tpu.memory_space<vmem_shared>>
        tpu.wait_dma2 semaphore(%run_scoped3A : memref<!tpu.dma_semaphore, #tpu.memory_space<semaphore_mem>>) src(%dma_wait3A : memref<1664xi32, #tpu.memory_space<vmem_shared>>) dst(%arg5 : memref<1664xi32, #tpu.memory_space<smem>>)
        tpu.yield
      }) : () -> ()
      "tpu.region"() ({
        %run_scoped3A = tpu.sem_alloc : memref<!tpu.dma_semaphore, #tpu.memory_space<semaphore_mem>>
        %dma_start3A = tpu.memref_slice %arg7[%mul3A_18] : memref<26624xi32, #tpu.memory_space<vmem_shared>> -> memref<1664xi32, #tpu.memory_space<vmem_shared>>
        tpu.enqueue_dma source(%dma_start3A : memref<1664xi32, #tpu.memory_space<vmem_shared>>) target(%arg5 : memref<1664xi32, #tpu.memory_space<smem>>) target_semaphore(%run_scoped3A : memref<!tpu.dma_semaphore, #tpu.memory_space<semaphore_mem>>)
        %dma_wait3A = tpu.memref_slice %arg7[%mul3A_18] : memref<26624xi32, #tpu.memory_space<vmem_shared>> -> memref<1664xi32, #tpu.memory_space<vmem_shared>>
        tpu.wait_dma2 semaphore(%run_scoped3A : memref<!tpu.dma_semaphore, #tpu.memory_space<semaphore_mem>>) src(%dma_wait3A : memref<1664xi32, #tpu.memory_space<vmem_shared>>) dst(%arg5 : memref<1664xi32, #tpu.memory_space<smem>>)
        tpu.yield
      }) : () -> ()
      %scan3A_21 = arith.constant 0 : i32
      %scan3A_22 = arith.constant 208 : i32
      %scan3A_23 = arith.addi %scan3A_21, %scan3A_22 : i32
      %scan3A_24 = arith.constant 1 : i32
      scf.for %scan3A_31 = %scan3A_21 to %scan3A_23 step %scan3A_24  : i32 {
        %mul3A_32 = arith.constant 1 : i32
        %mul3A_33 = arith.muli %scan3A_31, %mul3A_32 : i32
        %add3A_34 = arith.constant 0 : i32
        %add3A_35 = arith.addi %add3A_34, %mul3A_33 : i32
        %add3A_36 = arith.constant 0 : i32
        %add3A_37 = arith.addi %add3A_36, %add3A_35 : i32
        %get3A = arith.index_cast %add3A_37 : i32 to index
        %get3A_38 = memref.load %arg5[%get3A] : memref<1664xi32, #tpu.memory_space<smem>>
        %dma_start3A = arith.constant 0 : i32
        %dma_start3A_39 = tpu.memref_slice %arg8[%add3A_35, %dma_start3A] : memref<208x64xf32, #tpu.memory_space<vmem>> -> memref<1x64xf32, #tpu.memory_space<vmem>>
        %dma_start3A_40 = arith.constant 0 : i32
        %dma_start3A_41 = tpu.memref_slice %arg3[%get3A_38, %dma_start3A_40] : memref<1000000x64xf32, #tpu.memory_space<hbm>> -> memref<1x64xf32, #tpu.memory_space<hbm>>
        %dma_start3A_42 = arith.constant 0 : i32
        %dma_start3A_43 = tpu.memref_slice %arg8[%add3A_35, %dma_start3A_42] : memref<208x64xf32, #tpu.memory_space<vmem>> -> memref<1x64xf32, #tpu.memory_space<vmem>>
        %dma_start3A_44 = arith.constant 0 : i32
        %dma_start3A_45 = tpu.memref_slice %arg3[%get3A_38, %dma_start3A_44] : memref<1000000x64xf32, #tpu.memory_space<hbm>> -> memref<1x64xf32, #tpu.memory_space<hbm>>
        tpu.enqueue_dma source(%dma_start3A_45 : memref<1x64xf32, #tpu.memory_space<hbm>>) target(%dma_start3A_43 : memref<1x64xf32, #tpu.memory_space<vmem>>) target_semaphore(%arg11 : memref<!tpu.dma_semaphore, #tpu.memory_space<semaphore_mem>>)
      }
      %scan3A_25 = arith.constant 208 : i32
      %scan3A_26 = arith.constant 0 : i32
      %scan3A_27 = arith.constant 4 : i32
      %scan3A_28 = arith.addi %scan3A_26, %scan3A_27 : i32
      %scan3A_29 = arith.constant 1 : i32
      scf.for %scan3A_31 = %scan3A_26 to %scan3A_28 step %scan3A_29  : i32 {
        %mul3A_32 = arith.constant 2 : i32
        %mul3A_33 = arith.muli %scan3A_31, %mul3A_32 : i32
        %add3A_34 = arith.constant 0 : i32
        %add3A_35 = arith.addi %add3A_34, %mul3A_33 : i32
        %add3A_36 = arith.constant 1 : i32
        %add3A_37 = arith.addi %add3A_35, %add3A_36 : i32
        %scan3A_38 = arith.constant 0 : i32
        %scan3A_39 = arith.constant 208 : i32
        %scan3A_40 = arith.addi %scan3A_38, %scan3A_39 : i32
        %scan3A_41 = arith.constant 1 : i32
        scf.for %scan3A_71 = %scan3A_38 to %scan3A_40 step %scan3A_41  : i32 {
          %mul3A_72 = arith.constant 1 : i32
          %mul3A_73 = arith.muli %scan3A_71, %mul3A_72 : i32
          %add3A_74 = arith.constant 0 : i32
          %add3A_75 = arith.addi %add3A_74, %mul3A_73 : i32
          %mul3A_76 = arith.constant 8 : i32
          %mul3A_77 = arith.muli %add3A_37, %mul3A_76 : i32
          %mul3A_78 = arith.constant 26 : i32
          %mul3A_79 = arith.muli %mul3A_77, %mul3A_78 : i32
          %add3A_80 = arith.addi %mul3A_79, %add3A_75 : i32
          %get3A = arith.index_cast %add3A_80 : i32 to index
          %get3A_81 = memref.load %arg5[%get3A] : memref<1664xi32, #tpu.memory_space<smem>>
          %dma_start3A = arith.constant 0 : i32
          %dma_start3A_82 = tpu.memref_slice %arg9[%add3A_75, %dma_start3A] : memref<208x64xf32, #tpu.memory_space<vmem>> -> memref<1x64xf32, #tpu.memory_space<vmem>>
          %dma_start3A_83 = arith.constant 0 : i32
          %dma_start3A_84 = tpu.memref_slice %arg3[%get3A_81, %dma_start3A_83] : memref<1000000x64xf32, #tpu.memory_space<hbm>> -> memref<1x64xf32, #tpu.memory_space<hbm>>
          %dma_start3A_85 = arith.constant 0 : i32
          %dma_start3A_86 = tpu.memref_slice %arg9[%add3A_75, %dma_start3A_85] : memref<208x64xf32, #tpu.memory_space<vmem>> -> memref<1x64xf32, #tpu.memory_space<vmem>>
          %dma_start3A_87 = arith.constant 0 : i32
          %dma_start3A_88 = tpu.memref_slice %arg3[%get3A_81, %dma_start3A_87] : memref<1000000x64xf32, #tpu.memory_space<hbm>> -> memref<1x64xf32, #tpu.memory_space<hbm>>
          tpu.enqueue_dma source(%dma_start3A_88 : memref<1x64xf32, #tpu.memory_space<hbm>>) target(%dma_start3A_86 : memref<1x64xf32, #tpu.memory_space<vmem>>) target_semaphore(%arg12 : memref<!tpu.dma_semaphore, #tpu.memory_space<semaphore_mem>>)
        }
        %scan3A_42 = arith.constant 208 : i32
        %dma_wait3A = arith.constant 0 : i32
        %dma_wait3A_43 = arith.constant 0 : i32
        %dma_wait3A_44 = tpu.memref_slice %arg3[%dma_wait3A, %dma_wait3A_43] : memref<1000000x64xf32, #tpu.memory_space<hbm>> -> memref<208x64xf32, #tpu.memory_space<hbm>>
        %dma_wait3A_45 = arith.constant 0 : i32
        %dma_wait3A_46 = arith.constant 0 : i32
        %dma_wait3A_47 = tpu.memref_slice %arg3[%dma_wait3A_45, %dma_wait3A_46] : memref<1000000x64xf32, #tpu.memory_space<hbm>> -> memref<208x64xf32, #tpu.memory_space<hbm>>
        tpu.wait_dma2 semaphore(%arg11 : memref<!tpu.dma_semaphore, #tpu.memory_space<semaphore_mem>>) src(%dma_wait3A_47 : memref<208x64xf32, #tpu.memory_space<hbm>>) dst(%arg8 : memref<208x64xf32, #tpu.memory_space<vmem>>)
        %parallel_loop3A = arith.constant 0 : i32
        %parallel_loop3A_48 = arith.constant 208 : i32
        %parallel_loop3A_49 = arith.constant 1 : i32
        scf.for %parallel_loop3A_71 = %parallel_loop3A to %parallel_loop3A_48 step %parallel_loop3A_49  : i32 {
          %parallel_loop3A_72 = arith.constant 26 : i32
          %parallel_loop3A_73 = arith.divsi %parallel_loop3A_71, %parallel_loop3A_72 : i32
          %parallel_loop3A_74 = arith.constant 0 : i32
          %parallel_loop3A_75 = arith.cmpi sgt, %parallel_loop3A_71, %parallel_loop3A_74 : i32
          %parallel_loop3A_76 = arith.extui %parallel_loop3A_75 : i1 to i32
          %parallel_loop3A_77 = arith.constant 0 : i32
          %parallel_loop3A_78 = arith.cmpi slt, %parallel_loop3A_71, %parallel_loop3A_77 : i32
          %parallel_loop3A_79 = arith.extui %parallel_loop3A_78 : i1 to i32
          %parallel_loop3A_80 = arith.subi %parallel_loop3A_76, %parallel_loop3A_79 : i32
          %parallel_loop3A_81 = arith.constant 0 : i32
          %parallel_loop3A_82 = arith.cmpi sgt, %parallel_loop3A_72, %parallel_loop3A_81 : i32
          %parallel_loop3A_83 = arith.extui %parallel_loop3A_82 : i1 to i32
          %parallel_loop3A_84 = arith.constant 0 : i32
          %parallel_loop3A_85 = arith.cmpi slt, %parallel_loop3A_72, %parallel_loop3A_84 : i32
          %parallel_loop3A_86 = arith.extui %parallel_loop3A_85 : i1 to i32
          %parallel_loop3A_87 = arith.subi %parallel_loop3A_83, %parallel_loop3A_86 : i32
          %parallel_loop3A_88 = arith.cmpi ne, %parallel_loop3A_80, %parallel_loop3A_87 : i32
          %parallel_loop3A_89 = arith.remsi %parallel_loop3A_71, %parallel_loop3A_72 : i32
          %parallel_loop3A_90 = arith.constant 0 : i32
          %parallel_loop3A_91 = arith.cmpi ne, %parallel_loop3A_89, %parallel_loop3A_90 : i32
          %parallel_loop3A_92 = arith.andi %parallel_loop3A_88, %parallel_loop3A_91 : i1
          %parallel_loop3A_93 = arith.constant 1 : i32
          %parallel_loop3A_94 = arith.subi %parallel_loop3A_73, %parallel_loop3A_93 : i32
          %parallel_loop3A_95 = arith.select %parallel_loop3A_92, %parallel_loop3A_94, %parallel_loop3A_73 : i32
          %parallel_loop3A_96 = arith.constant 26 : i32
          %parallel_loop3A_97 = arith.constant 0 : i32
          %parallel_loop3A_98 = arith.cmpi eq, %parallel_loop3A_96, %parallel_loop3A_97 : i32
          %parallel_loop3A_99 = arith.constant 1 : i32
          %parallel_loop3A_100 = arith.select %parallel_loop3A_98, %parallel_loop3A_99, %parallel_loop3A_96 : i32
          %parallel_loop3A_101 = arith.remsi %parallel_loop3A_71, %parallel_loop3A_100 : i32
          %parallel_loop3A_102 = arith.constant 0 : i32
          %parallel_loop3A_103 = arith.cmpi ne, %parallel_loop3A_101, %parallel_loop3A_102 : i32
          %parallel_loop3A_104 = arith.constant 0 : i32
          %parallel_loop3A_105 = arith.cmpi slt, %parallel_loop3A_101, %parallel_loop3A_104 : i32
          %parallel_loop3A_106 = arith.constant 0 : i32
          %parallel_loop3A_107 = arith.cmpi slt, %parallel_loop3A_100, %parallel_loop3A_106 : i32
          %parallel_loop3A_108 = arith.xori %parallel_loop3A_105, %parallel_loop3A_107 : i1
          %parallel_loop3A_109 = arith.andi %parallel_loop3A_108, %parallel_loop3A_103 : i1
          %parallel_loop3A_110 = arith.addi %parallel_loop3A_101, %parallel_loop3A_100 : i32
          %parallel_loop3A_111 = arith.select %parallel_loop3A_109, %parallel_loop3A_110, %parallel_loop3A_101 : i32
          %parallel_loop3A_112 = arith.index_cast %parallel_loop3A_71 : i32 to index
          %parallel_loop3A_113 = arith.constant 0 : index
          %parallel_loop3A_114 = tpu.vector_load %arg8[%parallel_loop3A_112, %parallel_loop3A_113] {strides = array<i32>} : memref<208x64xf32, #tpu.memory_space<vmem>>, vector<1x16xf32>,
          %parallel_loop3A_115 = vector.shape_cast %parallel_loop3A_114 : vector<1x16xf32> to vector<16xf32>
          %parallel_loop3A_116 = arith.constant 3.000000e+00 : f32
          %parallel_loop3A_117 = vector.broadcast %parallel_loop3A_116 : f32 to vector<16xf32>
          %parallel_loop3A_118 = arith.mulf %parallel_loop3A_115, %parallel_loop3A_117 : vector<16xf32>
          %parallel_loop3A_119 = arith.index_cast %parallel_loop3A_95 : i32 to index
          %parallel_loop3A_120 = arith.index_cast %parallel_loop3A_111 : i32 to index
          %parallel_loop3A_121 = arith.constant 0 : index
          %parallel_loop3A_122 = tpu.vector_load %arg10[%parallel_loop3A_119, %parallel_loop3A_120, %parallel_loop3A_121] {strides = array<i32>} : memref<8x26x64xf32, #tpu.memory_space<vmem>>, vector<1x1x16xf32>,
          %parallel_loop3A_123 = vector.shape_cast %parallel_loop3A_122 : vector<1x1x16xf32> to vector<16xf32>
          %parallel_loop3A_124 = vector.shape_cast %parallel_loop3A_118 : vector<16xf32> to vector<1x1x16xf32>
          tpu.vector_store %arg10[%parallel_loop3A_119, %parallel_loop3A_120, %parallel_loop3A_121], %parallel_loop3A_124 {strides = array<i32>} : memref<8x26x64xf32, #tpu.memory_space<vmem>>, vector<1x1x16xf32>,
          %parallel_loop3A_125 = arith.index_cast %parallel_loop3A_71 : i32 to index
          %parallel_loop3A_126 = arith.constant 16 : index
          %parallel_loop3A_127 = tpu.vector_load %arg8[%parallel_loop3A_125, %parallel_loop3A_126] {strides = array<i32>} : memref<208x64xf32, #tpu.memory_space<vmem>>, vector<1x16xf32>,
          %parallel_loop3A_128 = vector.shape_cast %parallel_loop3A_127 : vector<1x16xf32> to vector<16xf32>
          %parallel_loop3A_129 = arith.constant 3.000000e+00 : f32
          %parallel_loop3A_130 = vector.broadcast %parallel_loop3A_129 : f32 to vector<16xf32>
          %parallel_loop3A_131 = arith.mulf %parallel_loop3A_128, %parallel_loop3A_130 : vector<16xf32>
          %parallel_loop3A_132 = arith.index_cast %parallel_loop3A_95 : i32 to index
          %parallel_loop3A_133 = arith.index_cast %parallel_loop3A_111 : i32 to index
          %parallel_loop3A_134 = arith.constant 16 : index
          %parallel_loop3A_135 = tpu.vector_load %arg10[%parallel_loop3A_132, %parallel_loop3A_133, %parallel_loop3A_134] {strides = array<i32>} : memref<8x26x64xf32, #tpu.memory_space<vmem>>, vector<1x1x16xf32>,
          %parallel_loop3A_136 = vector.shape_cast %parallel_loop3A_135 : vector<1x1x16xf32> to vector<16xf32>
          %parallel_loop3A_137 = vector.shape_cast %parallel_loop3A_131 : vector<16xf32> to vector<1x1x16xf32>
          tpu.vector_store %arg10[%parallel_loop3A_132, %parallel_loop3A_133, %parallel_loop3A_134], %parallel_loop3A_137 {strides = array<i32>} : memref<8x26x64xf32, #tpu.memory_space<vmem>>, vector<1x1x16xf32>,
          %parallel_loop3A_138 = arith.index_cast %parallel_loop3A_71 : i32 to index
          %parallel_loop3A_139 = arith.constant 32 : index
          %parallel_loop3A_140 = tpu.vector_load %arg8[%parallel_loop3A_138, %parallel_loop3A_139] {strides = array<i32>} : memref<208x64xf32, #tpu.memory_space<vmem>>, vector<1x16xf32>,
          %parallel_loop3A_141 = vector.shape_cast %parallel_loop3A_140 : vector<1x16xf32> to vector<16xf32>
          %parallel_loop3A_142 = arith.constant 3.000000e+00 : f32
          %parallel_loop3A_143 = vector.broadcast %parallel_loop3A_142 : f32 to vector<16xf32>
          %parallel_loop3A_144 = arith.mulf %parallel_loop3A_141, %parallel_loop3A_143 : vector<16xf32>
          %parallel_loop3A_145 = arith.index_cast %parallel_loop3A_95 : i32 to index
          %parallel_loop3A_146 = arith.index_cast %parallel_loop3A_111 : i32 to index
          %parallel_loop3A_147 = arith.constant 32 : index
          %parallel_loop3A_148 = tpu.vector_load %arg10[%parallel_loop3A_145, %parallel_loop3A_146, %parallel_loop3A_147] {strides = array<i32>} : memref<8x26x64xf32, #tpu.memory_space<vmem>>, vector<1x1x16xf32>,
          %parallel_loop3A_149 = vector.shape_cast %parallel_loop3A_148 : vector<1x1x16xf32> to vector<16xf32>
          %parallel_loop3A_150 = vector.shape_cast %parallel_loop3A_144 : vector<16xf32> to vector<1x1x16xf32>
          tpu.vector_store %arg10[%parallel_loop3A_145, %parallel_loop3A_146, %parallel_loop3A_147], %parallel_loop3A_150 {strides = array<i32>} : memref<8x26x64xf32, #tpu.memory_space<vmem>>, vector<1x1x16xf32>,
          %parallel_loop3A_151 = arith.index_cast %parallel_loop3A_71 : i32 to index
          %parallel_loop3A_152 = arith.constant 48 : index
          %parallel_loop3A_153 = tpu.vector_load %arg8[%parallel_loop3A_151, %parallel_loop3A_152] {strides = array<i32>} : memref<208x64xf32, #tpu.memory_space<vmem>>, vector<1x16xf32>,
          %parallel_loop3A_154 = vector.shape_cast %parallel_loop3A_153 : vector<1x16xf32> to vector<16xf32>
          %parallel_loop3A_155 = arith.constant 3.000000e+00 : f32
          %parallel_loop3A_156 = vector.broadcast %parallel_loop3A_155 : f32 to vector<16xf32>
          %parallel_loop3A_157 = arith.mulf %parallel_loop3A_154, %parallel_loop3A_156 : vector<16xf32>
          %parallel_loop3A_158 = arith.index_cast %parallel_loop3A_95 : i32 to index
          %parallel_loop3A_159 = arith.index_cast %parallel_loop3A_111 : i32 to index
          %parallel_loop3A_160 = arith.constant 48 : index
          %parallel_loop3A_161 = tpu.vector_load %arg10[%parallel_loop3A_158, %parallel_loop3A_159, %parallel_loop3A_160] {strides = array<i32>} : memref<8x26x64xf32, #tpu.memory_space<vmem>>, vector<1x1x16xf32>,
          %parallel_loop3A_162 = vector.shape_cast %parallel_loop3A_161 : vector<1x1x16xf32> to vector<16xf32>
          %parallel_loop3A_163 = vector.shape_cast %parallel_loop3A_157 : vector<16xf32> to vector<1x1x16xf32>
          tpu.vector_store %arg10[%parallel_loop3A_158, %parallel_loop3A_159, %parallel_loop3A_160], %parallel_loop3A_163 {strides = array<i32>} : memref<8x26x64xf32, #tpu.memory_space<vmem>>, vector<1x1x16xf32>,
        } {sc.loop_unroll_factor = 2 : i64, sc.parallel_access}
        %mul3A_50 = arith.constant 8 : i32
        %mul3A_51 = arith.muli %add3A_35, %mul3A_50 : i32
        %add3A_52 = arith.addi %add3A_14, %mul3A_51 : i32
        "tpu.region"() ({
          %run_scoped3A = tpu.sem_alloc : memref<!tpu.dma_semaphore, #tpu.memory_space<semaphore_mem>>
          %dma_start3A = arith.constant 0 : i32
          %dma_start3A_71 = arith.constant 0 : i32
          %dma_start3A_72 = tpu.memref_slice %arg4[%add3A_52, %dma_start3A, %dma_start3A_71] : memref<16384x26x64xf32, #tpu.memory_space<hbm>> -> memref<8x26x64xf32, #tpu.memory_space<hbm>>
          %dma_start3A_73 = arith.constant 0 : i32
          %dma_start3A_74 = arith.constant 0 : i32
          %dma_start3A_75 = tpu.memref_slice %arg4[%add3A_52, %dma_start3A_73, %dma_start3A_74] : memref<16384x26x64xf32, #tpu.memory_space<hbm>> -> memref<8x26x64xf32, #tpu.memory_space<hbm>>
          tpu.enqueue_dma source(%arg10 : memref<8x26x64xf32, #tpu.memory_space<vmem>>) target(%dma_start3A_75 : memref<8x26x64xf32, #tpu.memory_space<hbm>>) target_semaphore(%run_scoped3A : memref<!tpu.dma_semaphore, #tpu.memory_space<semaphore_mem>>)
          %dma_wait3A_76 = arith.constant 0 : i32
          %dma_wait3A_77 = arith.constant 0 : i32
          %dma_wait3A_78 = tpu.memref_slice %arg4[%add3A_52, %dma_wait3A_76, %dma_wait3A_77] : memref<16384x26x64xf32, #tpu.memory_space<hbm>> -> memref<8x26x64xf32, #tpu.memory_space<hbm>>
          %dma_wait3A_79 = arith.constant 0 : i32
          %dma_wait3A_80 = arith.constant 0 : i32
          %dma_wait3A_81 = tpu.memref_slice %arg4[%add3A_52, %dma_wait3A_79, %dma_wait3A_80] : memref<16384x26x64xf32, #tpu.memory_space<hbm>> -> memref<8x26x64xf32, #tpu.memory_space<hbm>>
          tpu.wait_dma2 semaphore(%run_scoped3A : memref<!tpu.dma_semaphore, #tpu.memory_space<semaphore_mem>>) src(%arg10 : memref<8x26x64xf32, #tpu.memory_space<vmem>>) dst(%dma_wait3A_81 : memref<8x26x64xf32, #tpu.memory_space<hbm>>)
          tpu.yield
        }) : () -> ()
        %add3A_53 = arith.constant 2 : i32
        %add3A_54 = arith.addi %add3A_35, %add3A_53 : i32
        %lt3A = arith.constant 8 : i32
        %lt3A_55 = arith.cmpi slt, %add3A_54, %lt3A : i32
        %convert_element_type3A = arith.extui %lt3A_55 : i1 to i32
        %cond3A = arith.constant 0 : i32
        %cond3A_56 = arith.cmpi ne, %convert_element_type3A, %cond3A : i32
        scf.if %cond3A_56 {
          %add3A_71 = arith.constant 2 : i32
          %add3A_72 = arith.addi %add3A_35, %add3A_71 : i32
          %scan3A_73 = arith.constant 0 : i32
          %scan3A_74 = arith.constant 208 : i32
          %scan3A_75 = arith.addi %scan3A_73, %scan3A_74 : i32
          %scan3A_76 = arith.constant 1 : i32
          scf.for %scan3A_78 = %scan3A_73 to %scan3A_75 step %scan3A_76  : i32 {
            %mul3A_79 = arith.constant 1 : i32
            %mul3A_80 = arith.muli %scan3A_78, %mul3A_79 : i32
            %add3A_81 = arith.constant 0 : i32
            %add3A_82 = arith.addi %add3A_81, %mul3A_80 : i32
            %mul3A_83 = arith.constant 8 : i32
            %mul3A_84 = arith.muli %add3A_72, %mul3A_83 : i32
            %mul3A_85 = arith.constant 26 : i32
            %mul3A_86 = arith.muli %mul3A_84, %mul3A_85 : i32
            %add3A_87 = arith.addi %mul3A_86, %add3A_82 : i32
            %get3A = arith.index_cast %add3A_87 : i32 to index
            %get3A_88 = memref.load %arg5[%get3A] : memref<1664xi32, #tpu.memory_space<smem>>
            %dma_start3A = arith.constant 0 : i32
            %dma_start3A_89 = tpu.memref_slice %arg8[%add3A_82, %dma_start3A] : memref<208x64xf32, #tpu.memory_space<vmem>> -> memref<1x64xf32, #tpu.memory_space<vmem>>
            %dma_start3A_90 = arith.constant 0 : i32
            %dma_start3A_91 = tpu.memref_slice %arg3[%get3A_88, %dma_start3A_90] : memref<1000000x64xf32, #tpu.memory_space<hbm>> -> memref<1x64xf32, #tpu.memory_space<hbm>>
            %dma_start3A_92 = arith.constant 0 : i32
            %dma_start3A_93 = tpu.memref_slice %arg8[%add3A_82, %dma_start3A_92] : memref<208x64xf32, #tpu.memory_space<vmem>> -> memref<1x64xf32, #tpu.memory_space<vmem>>
            %dma_start3A_94 = arith.constant 0 : i32
            %dma_start3A_95 = tpu.memref_slice %arg3[%get3A_88, %dma_start3A_94] : memref<1000000x64xf32, #tpu.memory_space<hbm>> -> memref<1x64xf32, #tpu.memory_space<hbm>>
            tpu.enqueue_dma source(%dma_start3A_95 : memref<1x64xf32, #tpu.memory_space<hbm>>) target(%dma_start3A_93 : memref<1x64xf32, #tpu.memory_space<vmem>>) target_semaphore(%arg11 : memref<!tpu.dma_semaphore, #tpu.memory_space<semaphore_mem>>)
          }
          %scan3A_77 = arith.constant 208 : i32
        } else {
        }
        %dma_wait3A_57 = arith.constant 0 : i32
        %dma_wait3A_58 = arith.constant 0 : i32
        %dma_wait3A_59 = tpu.memref_slice %arg3[%dma_wait3A_57, %dma_wait3A_58] : memref<1000000x64xf32, #tpu.memory_space<hbm>> -> memref<208x64xf32, #tpu.memory_space<hbm>>
        %dma_wait3A_60 = arith.constant 0 : i32
        %dma_wait3A_61 = arith.constant 0 : i32
        %dma_wait3A_62 = tpu.memref_slice %arg3[%dma_wait3A_60, %dma_wait3A_61] : memref<1000000x64xf32, #tpu.memory_space<hbm>> -> memref<208x64xf32, #tpu.memory_space<hbm>>
        tpu.wait_dma2 semaphore(%arg12 : memref<!tpu.dma_semaphore, #tpu.memory_space<semaphore_mem>>) src(%dma_wait3A_62 : memref<208x64xf32, #tpu.memory_space<hbm>>) dst(%arg9 : memref<208x64xf32, #tpu.memory_space<vmem>>)
        %parallel_loop3A_63 = arith.constant 0 : i32
        %parallel_loop3A_64 = arith.constant 208 : i32
        %parallel_loop3A_65 = arith.constant 1 : i32
        scf.for %parallel_loop3A_71 = %parallel_loop3A_63 to %parallel_loop3A_64 step %parallel_loop3A_65  : i32 {
          %parallel_loop3A_72 = arith.constant 26 : i32
          %parallel_loop3A_73 = arith.divsi %parallel_loop3A_71, %parallel_loop3A_72 : i32
          %parallel_loop3A_74 = arith.constant 0 : i32
          %parallel_loop3A_75 = arith.cmpi sgt, %parallel_loop3A_71, %parallel_loop3A_74 : i32
          %parallel_loop3A_76 = arith.extui %parallel_loop3A_75 : i1 to i32
          %parallel_loop3A_77 = arith.constant 0 : i32
          %parallel_loop3A_78 = arith.cmpi slt, %parallel_loop3A_71, %parallel_loop3A_77 : i32
          %parallel_loop3A_79 = arith.extui %parallel_loop3A_78 : i1 to i32
          %parallel_loop3A_80 = arith.subi %parallel_loop3A_76, %parallel_loop3A_79 : i32
          %parallel_loop3A_81 = arith.constant 0 : i32
          %parallel_loop3A_82 = arith.cmpi sgt, %parallel_loop3A_72, %parallel_loop3A_81 : i32
          %parallel_loop3A_83 = arith.extui %parallel_loop3A_82 : i1 to i32
          %parallel_loop3A_84 = arith.constant 0 : i32
          %parallel_loop3A_85 = arith.cmpi slt, %parallel_loop3A_72, %parallel_loop3A_84 : i32
          %parallel_loop3A_86 = arith.extui %parallel_loop3A_85 : i1 to i32
          %parallel_loop3A_87 = arith.subi %parallel_loop3A_83, %parallel_loop3A_86 : i32
          %parallel_loop3A_88 = arith.cmpi ne, %parallel_loop3A_80, %parallel_loop3A_87 : i32
          %parallel_loop3A_89 = arith.remsi %parallel_loop3A_71, %parallel_loop3A_72 : i32
          %parallel_loop3A_90 = arith.constant 0 : i32
          %parallel_loop3A_91 = arith.cmpi ne, %parallel_loop3A_89, %parallel_loop3A_90 : i32
          %parallel_loop3A_92 = arith.andi %parallel_loop3A_88, %parallel_loop3A_91 : i1
          %parallel_loop3A_93 = arith.constant 1 : i32
          %parallel_loop3A_94 = arith.subi %parallel_loop3A_73, %parallel_loop3A_93 : i32
          %parallel_loop3A_95 = arith.select %parallel_loop3A_92, %parallel_loop3A_94, %parallel_loop3A_73 : i32
          %parallel_loop3A_96 = arith.constant 26 : i32
          %parallel_loop3A_97 = arith.constant 0 : i32
          %parallel_loop3A_98 = arith.cmpi eq, %parallel_loop3A_96, %parallel_loop3A_97 : i32
          %parallel_loop3A_99 = arith.constant 1 : i32
          %parallel_loop3A_100 = arith.select %parallel_loop3A_98, %parallel_loop3A_99, %parallel_loop3A_96 : i32
          %parallel_loop3A_101 = arith.remsi %parallel_loop3A_71, %parallel_loop3A_100 : i32
          %parallel_loop3A_102 = arith.constant 0 : i32
          %parallel_loop3A_103 = arith.cmpi ne, %parallel_loop3A_101, %parallel_loop3A_102 : i32
          %parallel_loop3A_104 = arith.constant 0 : i32
          %parallel_loop3A_105 = arith.cmpi slt, %parallel_loop3A_101, %parallel_loop3A_104 : i32
          %parallel_loop3A_106 = arith.constant 0 : i32
          %parallel_loop3A_107 = arith.cmpi slt, %parallel_loop3A_100, %parallel_loop3A_106 : i32
          %parallel_loop3A_108 = arith.xori %parallel_loop3A_105, %parallel_loop3A_107 : i1
          %parallel_loop3A_109 = arith.andi %parallel_loop3A_108, %parallel_loop3A_103 : i1
          %parallel_loop3A_110 = arith.addi %parallel_loop3A_101, %parallel_loop3A_100 : i32
          %parallel_loop3A_111 = arith.select %parallel_loop3A_109, %parallel_loop3A_110, %parallel_loop3A_101 : i32
          %parallel_loop3A_112 = arith.index_cast %parallel_loop3A_71 : i32 to index
          %parallel_loop3A_113 = arith.constant 0 : index
          %parallel_loop3A_114 = tpu.vector_load %arg9[%parallel_loop3A_112, %parallel_loop3A_113] {strides = array<i32>} : memref<208x64xf32, #tpu.memory_space<vmem>>, vector<1x16xf32>,
          %parallel_loop3A_115 = vector.shape_cast %parallel_loop3A_114 : vector<1x16xf32> to vector<16xf32>
          %parallel_loop3A_116 = arith.constant 3.000000e+00 : f32
          %parallel_loop3A_117 = vector.broadcast %parallel_loop3A_116 : f32 to vector<16xf32>
          %parallel_loop3A_118 = arith.mulf %parallel_loop3A_115, %parallel_loop3A_117 : vector<16xf32>
          %parallel_loop3A_119 = arith.index_cast %parallel_loop3A_95 : i32 to index
          %parallel_loop3A_120 = arith.index_cast %parallel_loop3A_111 : i32 to index
          %parallel_loop3A_121 = arith.constant 0 : index
          %parallel_loop3A_122 = tpu.vector_load %arg10[%parallel_loop3A_119, %parallel_loop3A_120, %parallel_loop3A_121] {strides = array<i32>} : memref<8x26x64xf32, #tpu.memory_space<vmem>>, vector<1x1x16xf32>,
          %parallel_loop3A_123 = vector.shape_cast %parallel_loop3A_122 : vector<1x1x16xf32> to vector<16xf32>
          %parallel_loop3A_124 = vector.shape_cast %parallel_loop3A_118 : vector<16xf32> to vector<1x1x16xf32>
          tpu.vector_store %arg10[%parallel_loop3A_119, %parallel_loop3A_120, %parallel_loop3A_121], %parallel_loop3A_124 {strides = array<i32>} : memref<8x26x64xf32, #tpu.memory_space<vmem>>, vector<1x1x16xf32>,
          %parallel_loop3A_125 = arith.index_cast %parallel_loop3A_71 : i32 to index
          %parallel_loop3A_126 = arith.constant 16 : index
          %parallel_loop3A_127 = tpu.vector_load %arg9[%parallel_loop3A_125, %parallel_loop3A_126] {strides = array<i32>} : memref<208x64xf32, #tpu.memory_space<vmem>>, vector<1x16xf32>,
          %parallel_loop3A_128 = vector.shape_cast %parallel_loop3A_127 : vector<1x16xf32> to vector<16xf32>
          %parallel_loop3A_129 = arith.constant 3.000000e+00 : f32
          %parallel_loop3A_130 = vector.broadcast %parallel_loop3A_129 : f32 to vector<16xf32>
          %parallel_loop3A_131 = arith.mulf %parallel_loop3A_128, %parallel_loop3A_130 : vector<16xf32>
          %parallel_loop3A_132 = arith.index_cast %parallel_loop3A_95 : i32 to index
          %parallel_loop3A_133 = arith.index_cast %parallel_loop3A_111 : i32 to index
          %parallel_loop3A_134 = arith.constant 16 : index
          %parallel_loop3A_135 = tpu.vector_load %arg10[%parallel_loop3A_132, %parallel_loop3A_133, %parallel_loop3A_134] {strides = array<i32>} : memref<8x26x64xf32, #tpu.memory_space<vmem>>, vector<1x1x16xf32>,
          %parallel_loop3A_136 = vector.shape_cast %parallel_loop3A_135 : vector<1x1x16xf32> to vector<16xf32>
          %parallel_loop3A_137 = vector.shape_cast %parallel_loop3A_131 : vector<16xf32> to vector<1x1x16xf32>
          tpu.vector_store %arg10[%parallel_loop3A_132, %parallel_loop3A_133, %parallel_loop3A_134], %parallel_loop3A_137 {strides = array<i32>} : memref<8x26x64xf32, #tpu.memory_space<vmem>>, vector<1x1x16xf32>,
          %parallel_loop3A_138 = arith.index_cast %parallel_loop3A_71 : i32 to index
          %parallel_loop3A_139 = arith.constant 32 : index
          %parallel_loop3A_140 = tpu.vector_load %arg9[%parallel_loop3A_138, %parallel_loop3A_139] {strides = array<i32>} : memref<208x64xf32, #tpu.memory_space<vmem>>, vector<1x16xf32>,
          %parallel_loop3A_141 = vector.shape_cast %parallel_loop3A_140 : vector<1x16xf32> to vector<16xf32>
          %parallel_loop3A_142 = arith.constant 3.000000e+00 : f32
          %parallel_loop3A_143 = vector.broadcast %parallel_loop3A_142 : f32 to vector<16xf32>
          %parallel_loop3A_144 = arith.mulf %parallel_loop3A_141, %parallel_loop3A_143 : vector<16xf32>
          %parallel_loop3A_145 = arith.index_cast %parallel_loop3A_95 : i32 to index
          %parallel_loop3A_146 = arith.index_cast %parallel_loop3A_111 : i32 to index
          %parallel_loop3A_147 = arith.constant 32 : index
          %parallel_loop3A_148 = tpu.vector_load %arg10[%parallel_loop3A_145, %parallel_loop3A_146, %parallel_loop3A_147] {strides = array<i32>} : memref<8x26x64xf32, #tpu.memory_space<vmem>>, vector<1x1x16xf32>,
          %parallel_loop3A_149 = vector.shape_cast %parallel_loop3A_148 : vector<1x1x16xf32> to vector<16xf32>
          %parallel_loop3A_150 = vector.shape_cast %parallel_loop3A_144 : vector<16xf32> to vector<1x1x16xf32>
          tpu.vector_store %arg10[%parallel_loop3A_145, %parallel_loop3A_146, %parallel_loop3A_147], %parallel_loop3A_150 {strides = array<i32>} : memref<8x26x64xf32, #tpu.memory_space<vmem>>, vector<1x1x16xf32>,
          %parallel_loop3A_151 = arith.index_cast %parallel_loop3A_71 : i32 to index
          %parallel_loop3A_152 = arith.constant 48 : index
          %parallel_loop3A_153 = tpu.vector_load %arg9[%parallel_loop3A_151, %parallel_loop3A_152] {strides = array<i32>} : memref<208x64xf32, #tpu.memory_space<vmem>>, vector<1x16xf32>,
          %parallel_loop3A_154 = vector.shape_cast %parallel_loop3A_153 : vector<1x16xf32> to vector<16xf32>
          %parallel_loop3A_155 = arith.constant 3.000000e+00 : f32
          %parallel_loop3A_156 = vector.broadcast %parallel_loop3A_155 : f32 to vector<16xf32>
          %parallel_loop3A_157 = arith.mulf %parallel_loop3A_154, %parallel_loop3A_156 : vector<16xf32>
          %parallel_loop3A_158 = arith.index_cast %parallel_loop3A_95 : i32 to index
          %parallel_loop3A_159 = arith.index_cast %parallel_loop3A_111 : i32 to index
          %parallel_loop3A_160 = arith.constant 48 : index
          %parallel_loop3A_161 = tpu.vector_load %arg10[%parallel_loop3A_158, %parallel_loop3A_159, %parallel_loop3A_160] {strides = array<i32>} : memref<8x26x64xf32, #tpu.memory_space<vmem>>, vector<1x1x16xf32>,
          %parallel_loop3A_162 = vector.shape_cast %parallel_loop3A_161 : vector<1x1x16xf32> to vector<16xf32>
          %parallel_loop3A_163 = vector.shape_cast %parallel_loop3A_157 : vector<16xf32> to vector<1x1x16xf32>
          tpu.vector_store %arg10[%parallel_loop3A_158, %parallel_loop3A_159, %parallel_loop3A_160], %parallel_loop3A_163 {strides = array<i32>} : memref<8x26x64xf32, #tpu.memory_space<vmem>>, vector<1x1x16xf32>,
        } {sc.loop_unroll_factor = 2 : i64, sc.parallel_access}
        %add3A_66 = arith.constant 1 : i32
        %add3A_67 = arith.addi %add3A_35, %add3A_66 : i32
        %mul3A_68 = arith.constant 8 : i32
        %mul3A_69 = arith.muli %add3A_67, %mul3A_68 : i32
        %add3A_70 = arith.addi %add3A_14, %mul3A_69 : i32
        "tpu.region"() ({
          %run_scoped3A = tpu.sem_alloc : memref<!tpu.dma_semaphore, #tpu.memory_space<semaphore_mem>>
          %dma_start3A = arith.constant 0 : i32
          %dma_start3A_71 = arith.constant 0 : i32
          %dma_start3A_72 = tpu.memref_slice %arg4[%add3A_70, %dma_start3A, %dma_start3A_71] : memref<16384x26x64xf32, #tpu.memory_space<hbm>> -> memref<8x26x64xf32, #tpu.memory_space<hbm>>
          %dma_start3A_73 = arith.constant 0 : i32
          %dma_start3A_74 = arith.constant 0 : i32
          %dma_start3A_75 = tpu.memref_slice %arg4[%add3A_70, %dma_start3A_73, %dma_start3A_74] : memref<16384x26x64xf32, #tpu.memory_space<hbm>> -> memref<8x26x64xf32, #tpu.memory_space<hbm>>
          tpu.enqueue_dma source(%arg10 : memref<8x26x64xf32, #tpu.memory_space<vmem>>) target(%dma_start3A_75 : memref<8x26x64xf32, #tpu.memory_space<hbm>>) target_semaphore(%run_scoped3A : memref<!tpu.dma_semaphore, #tpu.memory_space<semaphore_mem>>)
          %dma_wait3A_76 = arith.constant 0 : i32
          %dma_wait3A_77 = arith.constant 0 : i32
          %dma_wait3A_78 = tpu.memref_slice %arg4[%add3A_70, %dma_wait3A_76, %dma_wait3A_77] : memref<16384x26x64xf32, #tpu.memory_space<hbm>> -> memref<8x26x64xf32, #tpu.memory_space<hbm>>
          %dma_wait3A_79 = arith.constant 0 : i32
          %dma_wait3A_80 = arith.constant 0 : i32
          %dma_wait3A_81 = tpu.memref_slice %arg4[%add3A_70, %dma_wait3A_79, %dma_wait3A_80] : memref<16384x26x64xf32, #tpu.memory_space<hbm>> -> memref<8x26x64xf32, #tpu.memory_space<hbm>>
          tpu.wait_dma2 semaphore(%run_scoped3A : memref<!tpu.dma_semaphore, #tpu.memory_space<semaphore_mem>>) src(%arg10 : memref<8x26x64xf32, #tpu.memory_space<vmem>>) dst(%dma_wait3A_81 : memref<8x26x64xf32, #tpu.memory_space<hbm>>)
          tpu.yield
        }) : () -> ()
      }
      %scan3A_30 = arith.constant 4 : i32
    }
    %scan3A_6 = arith.constant 8 : i32
    return
  }
}

</mosaic_0001>

<sc_bundles>
// kernel: kernel.3.cloned.1.call-start
scs
__scs_entry_jumppad:
0x0: {  	(pc) =	sbr.rel $0x88, $3  }
0x1: {  	(tag) =	ssettag $0x0;
	lr =	simm.s32 $0x1  }
0x2: {  	[smem:$0x3F9F] =	sst lr;
	_ =	strace $0xD0000000  }
0x3: {  	_ = 	snop  }
0x4: {  	_ = 	snop  }
0x5: {  	_ = 	snop  }
0x6: {  	_ = 	snop  }
0x7: {  	_ = 	snop  }
__scs_overlays_trampoline_lowered:
0x8: {  	[smem:$0x3FAE] =	sst s0  }
0x9: {  	[smem:$0x3FAF] =	sst s1  }
0xa: {  	[smem:$0x3FB0] =	sst s2  }
0xb: {  	[smem:$0x3FB1] =	sst s3  }
0xc: {  	[smem:$0x3FB2] =	sst s4  }
0xd: {  	[smem:$0x3FB3] =	sst s5  }
0xe: {  	[smem:$0x3FB4] =	sst s6  }
0xf: {  	[smem:$0x3FB5] =	sst s7  }
0x10: {  	[smem:$0x3FB6] =	sst s8  }
0x11: {  	[smem:$0x3FB7] =	sst s9;
	s0 =	simm.s32 @!p0 $0x0  }
0x12: {  	s1 =	sld [smem:$0x3F9D];
	s0 =	simm.s32 @p0 $0x1  }
0x13: {  	[smem:$0x3FB8] =	sst s0;
	s0 =	simm.s32 @!p1 $0x0  }
0x14: {  	s2 =	sld [smem:$0x3F9C];
	s0 =	simm.s32 @p1 $0x1  }
0x15: {  	[smem:$0x3FB9] =	sst s0;
	s0 =	simm.s32 @!p2 $0x0  }
0x16: {  	s3 =	sld [smem:$0x3FDB];
	s0 =	simm.s32 @p2 $0x1  }
0x17: {  	s4 =	simm.s32 $0x1BF5;
	[smem:$0x3FBB] =	sst s0  }
0x18: {  	s0 =	sld [smem:$0x3F9E];
	_ =	swait.ge [sflag:s4], $0x0  }
0x19: {  	s7 =	sld [smem:$0x3F9F]  }
0x1a: {  	s8 =	sadd.s32 $0xFFFFE003, lr  }
0x1b: {  	s9 =	sadd.s32 $0xFFFFFEF7, lr;
	s5 =	simm.s32 $0xFFFFFFFF;
	p2 =	slt.u32 s8, $0xFFFFF086  }
0x1c: {  	p1 =	slt.u32 s9, $0xF7A;
	s5 =	simm.s32 @!p2 $0x0  }
0x1d: {  	s5 =	simm.s32 @p1 $0x1;
	p0 =	seq.s32 s7, s2  }
0x1e: {  	s7 =	smul.u32 @!p0 $0xF7A, s2;
	p2 =	seq.s32 @!p0 s5, $0x0  }
0x1f: {  	s9 =	smul.u32 $0xF7A, s1;
	s8 =	simm.s32 @!p0 $0x1BF5;
	p2 =	por !p2, p0  }
0x20: {  	[sflag:s8] =	ssyncset.s32 @!p0 $0xFFFFF086;
	s6 =	sadd.s32 @!p0 s3, s7;
	s7 =	simm.s32 @!p0 $0x108  }
0x21: {  	s3 =	sadd.s32 s3, s9;
	s6 =	sadd.s32 @!p0 $0x88, s6;
	s7 =	simm.s32 @p2 $0x1082  }
0x22: {  	[simem:s7], [sflag:s8] =	dma.local @!p0 [hbm:s6], $0xF7A  }
0x23: {  	s9 =	sor.u32 $0xD0000000, s2;
	s6 =	simm.s32 $0x108;
	_ =	swait.ge @!p0 [sflag:s8], $0x0  }
0x24: {  	s3 =	sadd.s32 $0x88, s3;
	s6 =	simm.s32 @!p1 $0x1082;
	[sflag:s4] =	ssyncset.s32 $0xFFFFF086  }
0x25: {  	[simem:s6], [sflag:s4] =	dma.local [hbm:s3], $0xF7A  }
0x26: {  	[smem:$0x3F9F] =	sst s1;
	(tag) =	ssettag s2;
	_ =	strace s9  }
0x27: {  	s1 =	sld [smem:$0x3FAF]  }
0x28: {  	s2 =	sld [smem:$0x3FB0]  }
0x29: {  	s4 =	sld [smem:$0x3FB2]  }
0x2a: {  	p0 =	seq.s32 s5, $0x0;
	s5 =	sld [smem:$0x3FB3]  }
0x2b: {  	s6 =	sld [smem:$0x3FB4]  }
0x2c: {  	s7 =	sld [smem:$0x3FB5]  }
0x2d: {  	s3 =	simm.s32 $0x108;
	s8 =	sld [smem:$0x3FB6]  }
0x2e: {  	s3 =	simm.s32 @!p0 $0x1082;
	s9 =	sld [smem:$0x3FB7]  }
0x2f: {  	lr =	sadd.s32 s0, s3;
	s0 =	sld [smem:$0x3FAE]  }
0x30: {  	s3 =	sld [smem:$0x3FB1]  }
0x31: {  	[smem:$0x3FBA] =	sst s10  }
0x32: {  	s10 =	sld [smem:$0x3FB8];
	_ =	sdelay $0x3  }
0x33: {  	p0 =	seq.s32 s10, $0x1;
	s10 =	sld [smem:$0x3FBA];
	_ =	sdelay $0x3  }
0x34: {  	[smem:$0x3FBA] =	sst s10  }
0x35: {  	s10 =	sld [smem:$0x3FB9];
	_ =	sdelay $0x3  }
0x36: {  	p1 =	seq.s32 s10, $0x1;
	s10 =	sld [smem:$0x3FBA];
	_ =	sdelay $0x3  }
0x37: {  	[smem:$0x3FBA] =	sst s10  }
0x38: {  	s10 =	sld [smem:$0x3FBB]  }
0x39: {  	_ = 	snop;
	(pc) =	sbr.ind lr, $3  }
0x3a: {  	_ = 	snop  }
0x3b: {  	_ = 	snop  }
0x3c: {  	p2 =	seq.s32 s10, $0x1;
	s10 =	sld [smem:$0x3FBA]  }
0x3d: {  	_ =	shalt  }
0x3e: {  	_ =	shalt  }
0x3f: {  	_ =	shalt  }
0x40: {  	_ =	shalt  }
0x41: {  	_ =	shalt  }
0x42: {  	_ =	shalt  }
0x43: {  	_ =	shalt  }
0x44: {  	_ =	shalt  }
0x45: {  	_ =	shalt  }
0x46: {  	_ =	shalt  }
0x47: {  	_ =	shalt  }
0x48: {  	_ =	shalt  }
0x49: {  	_ =	shalt  }
0x4a: {  	_ =	shalt  }
0x4b: {  	_ =	shalt  }
0x4c: {  	_ =	shalt  }
0x4d: {  	_ =	shalt  }
0x4e: {  	_ =	shalt  }
0x4f: {  	_ =	shalt  }
0x50: {  	_ =	shalt  }
0x51: {  	_ =	shalt  }
0x52: {  	_ =	shalt  }
0x53: {  	_ =	shalt  }
0x54: {  	_ =	shalt  }
0x55: {  	_ =	shalt  }
0x56: {  	_ =	shalt  }
0x57: {  	_ =	shalt  }
0x58: {  	_ =	shalt  }
0x59: {  	_ =	shalt  }
0x5a: {  	_ =	shalt  }
0x5b: {  	_ =	shalt  }
0x5c: {  	_ =	shalt  }
0x5d: {  	_ =	shalt  }
0x5e: {  	_ =	shalt  }
0x5f: {  	_ =	shalt  }
0x60: {  	_ =	shalt  }
0x61: {  	_ =	shalt  }
0x62: {  	_ =	shalt  }
0x63: {  	_ =	shalt  }
0x64: {  	_ =	shalt  }
0x65: {  	_ =	shalt  }
0x66: {  	_ =	shalt  }
0x67: {  	_ =	shalt  }
0x68: {  	_ =	shalt  }
0x69: {  	_ =	shalt  }
0x6a: {  	_ =	shalt  }
0x6b: {  	_ =	shalt  }
0x6c: {  	_ =	shalt  }
0x6d: {  	_ =	shalt  }
0x6e: {  	_ =	shalt  }
0x6f: {  	_ =	shalt  }
0x70: {  	_ =	shalt  }
0x71: {  	_ =	shalt  }
0x72: {  	_ =	shalt  }
0x73: {  	_ =	shalt  }
0x74: {  	_ =	shalt  }
0x75: {  	_ =	shalt  }
0x76: {  	_ =	shalt  }
0x77: {  	_ =	shalt  }
0x78: {  	_ =	shalt  }
0x79: {  	_ =	shalt  }
0x7a: {  	_ =	shalt  }
0x7b: {  	_ =	shalt  }
0x7c: {  	_ =	shalt  }
0x7d: {  	_ =	shalt  }
0x7e: {  	_ =	shalt  }
0x7f: {  	_ =	shalt  }
0x80: {  	_ =	shalt  }
0x81: {  	_ =	shalt  }
0x82: {  	_ =	shalt  }
0x83: {  	_ =	shalt  }
0x84: {  	_ =	shalt  }
0x85: {  	_ =	shalt  }
0x86: {  	_ =	shalt  }
0x87: {  	_ =	shalt  }
.Lfunc_end0:
.L_simem_size_0:
called_computation_lowered:
.L_overlay_start_0:
0x88: {  	s2 =	sld [smem:$0x3FD9]  }
0x89: {  	s3 =	sld [smem:$0x3FFE];
	_ =	sdelay $0x1  }
0x8a: {  	s1 =	srdreg.scid  }
0x8b: {  	s0 =	sand.u32 $0x1, s1  }
0x8c: {  	s17 =	sshll.u32 s0, $0xA;
	s2 =	sadd.s32 s3, s2  }
0x8d: {  	s2 =	sadd.s32 s2, s17  }
0x8e: {  	[smem:$0x3FC6] =	sst s2  }
0x8f: {  	_ = 	snop  }
0x90: {  	s2 =	sld [smem:$0x3FD0];
	(tm) =	ssettm $0x1  }
0x91: {  	s18 =	sld [smem:$0x3FFB];
	_ =	sdelay $0x3  }
0x92: {  	_ =	strace s18  }
0x93: {  	s3 =	sld [smem:$0x3FFC];
	_ =	sdelay $0x3  }
0x94: {  	_ =	strace s3  }
0x95: {  	s3 =	sld [smem:$0x3FFD];
	_ =	sdelay $0x3  }
0x96: {  	_ =	strace s3  }
0x97: {  	_ =	strace $0x8FFFFFFF  }
0x98: {  	s19 =	sld [smem:$0x3FDB];
	_ =	sdelay $0x1  }
0x99: {  	s4 =	simm.s32 $_scs_section_size  }
0x9a: {  	s5 =	simm.s32 $_size__tile_overlayer_lowered;
	s6 =	simm.s32 $_tile_overlayer_lowered  }
0x9b: {  	s22 =	simm.s32 $0x1BFF;
	s21 =	sshll.u32 s6, $0x1;
	s3 =	sadd.s32 s4, s19  }
0x9c: {  	s7 =	simm.s32 $0x0;
	s20 =	sshll.u32 s5, $0x1;
	s5 =	sadd.s32 s21, s3  }
0x9d: {  	[timem:s7], [sflag:s22] =	dma.local [hbm:s5], s20  }
0x9e: {  	_ =	swait.ge [sflag:s22], s20  }
0x9f: {  	s4 =	ssub.s32 $0x0, s20;
	[sflag:s22] =	ssyncset.done $0x0  }
0xa0: {  	[sflag:s22] =	ssyncadd.s32 s4;
	_ =	sdelay $0x1  }
0xa1: {  	s23 =	simm.s32 $0x1B8B  }
0xa2: {  	_ =	swait.ge [sflag:s23], $0x1  }
0xa3: {  	[sflag:s23] =	ssyncset.done $0x0  }
0xa4: {  	s25 =	simm.s32 $0x1B8E;
	s24 =	sld [smem:$0x3FFE];
	[sflag:s23] =	ssyncadd.s32 $0xFFFFFFFF  }
0xa5: {  	s26 =	simm.s32 $execute0_lowered;
	[smem:$0x3FD2] =	sst s25  }
0xa6: {  	s5 =	sshll.u32 s26, $0x1;
	_ =	strace $0x80000046;
	[dreg:$0x1] =	wrdreg $0xFFFFFFFF  }
0xa7: {  	s28 =	simm.s32 $_size_execute0_lowered;
	s3 =	sadd.s32 s3, s5;
	[dreg:$0x0] =	wrdreg $0x0  }
0xa8: {  	s5 =	sshll.u32 s28, $0x1;
	[dreg:$0x2] =	wrdreg s3  }
0xa9: {  	[dreg:$0x3] =	wrdreg s5  }
0xaa: {  	[dreg:$0x4] =	wrdreg $0xC0  }
0xab: {  	_ =	task [dreg:s7], $0x5FFFF  }
0xac: {  	[dreg:$0x1] =	wrdreg $0xFFFFFFFF  }
0xad: {  	[dreg:$0x0] =	wrdreg $0x60  }
0xae: {  	[dreg:$0x2] =	wrdreg s2  }
0xaf: {  	[dreg:$0x3] =	wrdreg s24  }
0xb0: {  	[dreg:$0x4] =	wrdreg $0x6800  }
0xb1: {  	[dreg:$0x5] =	wrdreg $0x9  }
0xb2: {  	_ =	task.clear_ibuf [dreg:s7], $0x6FFFF;
	_ =	strace $0x90000046  }
0xb3: {  	s29 =	simm.s32 $0x9;
	_ =	strace $0x80000048  }
0xb4: {  	_ =	swait.ge [sflag:s29], $0x1  }
0xb5: {  	[sflag:s29] =	ssyncadd.s32 $0xFFFFFFFF  }
0xb6: {  	_ =	strace $0x90000048  }
0xb7: {  	_ =	sfence  }
0xb8: {  	s30 =	sld [smem:$0x0];
	_ =	sdelay $0x2  }
0xb9: {  	s31 =	sshll.u32 s1, $0xD;
	s1 =	sshrl.u32 s1, $0x2  }
0xba: {  	s3 =	sand.u32 $0x4000, s31;
	s1 =	sadd.s32 s1, s30  }
0xbb: {  	s0 =	sor.u32 s3, s0;
	s1 =	sshll.u32 s1, $0x11  }
0xbc: {  	s0 =	sor.u32 s1, s0  }
0xbd: {  	s0 =	sadd.s32 $0x8F2B, s0  }
0xbe: {  	[sflag:s0] =	ssyncadd.remote.s32 $0x1  }
0xbf: {  	_ =	sfence.sel $0xFFFF  }
0xc0: {  	[dreg:$0x0] =	wrdreg $0xFFFFFFFF;
	(pc) =	sbr.abs _section_cstart, $3  }
0xc1: {  	[dreg:$0x1] =	wrdreg $0xFFFFFFFF  }
0xc2: {  	_ =	task.clear_ibuf [dreg:s7], $0x2FFFF;
	_ =	strace $0x9FFFFFFF  }
0xc3: {  	(tm) =	ssettm $0x7FFFFFFF  }
tec
execute0_lowered:
.L_overlay_start_1:
0x0: {  	(tag) =	ssettag $0x1  }
0x1: {  	s0 =	rddreg [dreg:$0x1]  }
0x2: {  	s1 =	rddreg [dreg:$0x2];
	s2 =	srdreg.scid;
	s3 =	simm.s32 $0x0  }
0x3: {  	s8 =	stileid.u32;
	s9 =	simm.s32 $0x3;
	s10 =	simm.s32 $0x1  }
0x4: {  	s13 =	simm.s32 $0xFD00;
	s14 =	simm.s32 $0x10D00;
	s15 =	simm.s32 $0x11D00  }
0x5: {  	s16 =	simm.s32 $0x12D00;
	s17 =	simm.s32 $0x13D00;
	s2 =	sand.u32 $0x1, s2  }
0x6: {  	[smem:$0x7FF] =	sst s3;
	s7 =	smul.u32 $0x1A00, s8;
	s4 =	sadd.s32 $0x400, s0  }
0x7: {  	s0 =	sadd.s32 $0xF42800, s0;
	s30 =	sshll.u32 s8, $0xA;
	s5 =	ssub.s32 $0x2, s2  }
0x8: {  	_ =	strace $0x80000047;
	[dreg:$0x4] =	wrdreg s0;
	s2 =	sshll.u32 s2, $0x9  }
0x9: {  	s6 =	sshrl.u32 s5, $0x1;
	s31 =	sshrl.u32 s7, $0x2;
	s2 =	sor.u32 s2, s30  }
0xa: {  	s29 =	ssub.s32 s5, s6;
	[dreg:$0x5] =	wrdreg s2;
	s1 =	sadd.s32 s31, s1  }
0xb: {  	s18 =	simm.s32 $0x14D00;
	[dreg:$0x6] =	wrdreg s1;
	s0 =	smax.u32 s29, $0x1  }
0xc: {  	s19 =	simm.s32 $0x2;
	s1 =	simm.s32 $0x0;
	[dreg:$0x7] =	wrdreg s0  }
.LBB2_1:
0xd: {  	[dreg:$0x8] =	wrdreg s1;
	s0 =	simm.s32 $0x0  }
.LBB2_2:
0xe: {  	s28 =	sshll.u32 s0, $0x6;
	s1 =	rddreg [dreg:$0x5]  }
0xf: {  	[dreg:$0x9] =	wrdreg s0;
	s0 =	sadd.s32 s1, s28  }
0x10: {  	s1 =	smul.u32 $0x1A, s0;
	_ =	sdelay $0x1  }
0x11: {  	s2 =	rddreg [dreg:$0x0];
	s1 =	sshrl.u32 s1, $0x3  }
0x12: {  	s29 =	simm.s32 $0x0;
	s1 =	sadd.s32 s2, s1  }
0x13: {  	[tilespmem:s29], [sflag:$0x3] =	stream.linear.gather [hbm4b:s1+s29], $0x680, $0x38;
	[tilespmem:$0x15D00] =	vst v63  }
0x14: {  	_ =	swait.ge [sflag:s9], $0x680  }
0x15: {  	[sflag:s9] =	ssyncset.done $0x0  }
0x16: {  	s30 =	rddreg [dreg:$0x6];
	[sflag:s9] =	ssyncadd.s32 $0xFFFFF980  }
0x17: {  	[spmem:s30] =	stream.linear.scatter [tilespmem:s29], [sflag:$0x3], $0x680, $0x38;
	[tilespmem:$0x15D00] =	vst v63  }
0x18: {  	_ =	swait.ge [sflag:s9], $0x680  }
0x19: {  	[sflag:s9] =	ssyncset.done $0x0  }
0x1a: {  	[sflag:s9] =	ssyncadd.s32 $0xFFFFF980  }
0x1b: {  	[smem:s29], [sflag:$0x3] =	stream.linear.gather [spmem:s30], $0x680, $0x38;
	[tilespmem:$0x15D00] =	vst v63  }
0x1c: {  	_ =	swait.ge [sflag:s9], $0x680  }
0x1d: {  	[sflag:s9] =	ssyncset.done $0x0  }
0x1e: {  	[sflag:s9] =	ssyncadd.s32 $0xFFFFF980  }
0x1f: {  	[smem:s29], [sflag:$0x3] =	stream.linear.gather [spmem:s30], $0x680, $0x38;
	[tilespmem:$0x15D00] =	vst v63  }
0x20: {  	_ =	swait.ge [sflag:s9], $0x680  }
0x21: {  	[sflag:s9] =	ssyncset.done $0x0  }
0x22: {  	[sflag:s9] =	ssyncadd.s32 $0xFFFFF980  }
0x23: {  	s31 =	sld [smem:$0x0];
	_ =	sdelay $0x2  }
0x24: {  	s2 =	sshll.u32 s31, $0x4  }
0x25: {  	s5 =	sand.u32 $0x1FFFFFF0, s2  }
0x26: {  	s1 =	simm.s32 $0xD00;
	s2 =	sld [smem:$0x1];
	s5 =	sadd.s32 s4, s5  }
0x27: {  	[tilespmem:s1], [sflag:$0x1] =	stream.linear.gather [hbm4b:s5+s3], $0x80, $0x38;
	[tilespmem:$0x15D00] =	vst v63  }
0x28: {  	s5 =	simm.s32 $0x8  }
.LBB2_3:
0x29: {  	p0 =	seq.s32 s5, $0x33C  }
.Ltmp0:
0x2a: {  	_ = 	snop;
	(pc) =	sbr.rel @!p0 .LBB2_3-.Ltmp0, $4  }
0x2b: {  	s7 =	sshll.u32 s2, $0x4  }
0x2c: {  	s6 =	sshra.s32 s5, $0x2;
	s1 =	sadd.s32 $0x80, s1;
	s31 =	sand.u32 $0x1FFFFFF0, s7  }
0x2d: {  	s5 =	sadd.s32 $0x4, s5;
	s2 =	sld [smem:s6+$0x0];
	s6 =	sadd.s32 s4, s31  }
0x2e: {  	[tilespmem:s1], [sflag:$0x1] =	stream.linear.gather [hbm4b:s6+s3], $0x80, $0x38;
	[tilespmem:$0x15D00] =	vst v63  }
0x2f: {  	s1 =	sadd.s32 $0x80, s1  }
0x30: {  	s0 =	sshll.u32 s0, $0x9;
	s31 =	rddreg [dreg:$0x4];
	s2 =	sshll.u32 s2, $0x4  }
0x31: {  	s23 =	simm.s32 $0x0;
	s24 =	simm.s32 $0xD0;
	s2 =	sand.u32 $0x1FFFFFF0, s2  }
0x32: {  	s25 =	simm.s32 $0x1A0;
	s22 =	sadd.s32 s31, s0;
	s2 =	sadd.s32 s4, s2  }
0x33: {  	[tilespmem:s1], [sflag:$0x1] =	stream.linear.gather [hbm4b:s2+s3], $0x80, $0x38;
	[tilespmem:$0x15D00] =	vst v63  }
.LBB2_5:
0x34: {  	s0 =	simm.s32 $0x0  }
0x35: {  	s0 =	sld [smem:s24+s0];
	_ =	sdelay $0x2  }
0x36: {  	s0 =	sshll.u32 s0, $0x4  }
0x37: {  	s1 =	sand.u32 $0x1FFFFFF0, s0  }
0x38: {  	s31 =	simm.s32 $0x1;
	s0 =	simm.s32 $0x7500;
	s1 =	sadd.s32 s4, s1  }
0x39: {  	[tilespmem:s0], [sflag:$0x2] =	stream.linear.gather [hbm4b:s1+s3], $0x80, $0x38;
	[tilespmem:$0x15D00] =	vst v63  }
0x3a: {  	s26 =	sshllo.u32 s23, $0x1;
	s2 =	simm.s32 $0x8;
	s1 =	sld [smem:s24+s31]  }
.LBB2_6:
0x3b: {  	p0 =	sne.s32 s2, $0x33C  }
.Ltmp1:
0x3c: {  	_ = 	snop;
	(pc) =	sbr.rel @p0 .LBB2_6-.Ltmp1, $4  }
0x3d: {  	s6 =	sshll.u32 s1, $0x4  }
0x3e: {  	s5 =	sshra.s32 s2, $0x2;
	s0 =	sadd.s32 $0x80, s0;
	s31 =	sand.u32 $0x1FFFFFF0, s6  }
0x3f: {  	s2 =	sadd.s32 $0x4, s2;
	s1 =	sld [smem:s24+s5];
	s5 =	sadd.s32 s4, s31  }
0x40: {  	[tilespmem:s0], [sflag:$0x2] =	stream.linear.gather [hbm4b:s5+s3], $0x80, $0x38;
	[tilespmem:$0x15D00] =	vst v63  }
0x41: {  	_ = 	snop  }
0x42: {  	s1 =	sshll.u32 s1, $0x4  }
0x43: {  	s2 =	simm.s32 $0xFFFFFFFE;
	s1 =	sand.u32 $0x1FFFFFF0, s1  }
0x44: {  	s0 =	sadd.s32 $0x80, s0;
	s2 =	smul.u32 $0x4F, s2;
	s1 =	sadd.s32 s4, s1  }
0x45: {  	[tilespmem:s0], [sflag:$0x2] =	stream.linear.gather [hbm4b:s1+s3], $0x80, $0x38;
	[tilespmem:$0x15D00] =	vst v63  }
0x46: {  	s12 =	sadd.s32 $0xED, s2;
	_ =	swait.ge [sflag:s10], $0x6800  }
0x47: {  	s0 =	sshrl.u32 s12, $0xB;
	[sflag:s10] =	ssyncset.done $0x0  }
0x48: {  	s1 =	simm.s32 $0xD80;
	s0 =	sand.u32 $0x1F, s0;
	[sflag:s10] =	ssyncadd.s32 $0xFFFF9800  }
0x49: {  	s2 =	sadd.s32 $0x9E, s2;
	s0 =	smul.u32 $0x1A, s0;
	v0 =	vld [tilespmem:s1+$0x0]  }
0x4a: {  	s5 =	sshrl.u32 s2, $0xB  }
0x4b: {  	s5 =	sand.u32 $0x1F, s5;
	s0 =	ssub.s32 $0xFFFFFFFE, s0;
	v1 =	vld [tilespmem:s1+$0xFFFFFF80]  }
0x4c: {  	s2 =	sshll.u32 s2, $0x1;
	s5 =	smul.u32 $0x1A, s5;
	s0 =	sadd.s32 $0x3, s0  }
0x4d: {  	s2 =	sand.u32 $0x1F000, s2;
	s0 =	sand.u32 $0xFF, s0  }
0x4e: {  	s2 =	sadd.s32 $0xDD00, s2;
	s5 =	ssub.s32 $0x0, s5;
	s0 =	sshll.u32 s0, $0x7;
	v0 =	vmul.f32 $3.000000000e+00, v0  }
0x4f: {  	s20 =	sand.u32 $0xFF, s5;
	s28 =	sadd.s32 s0, s2  }
0x50: {  	s6 =	simm.s32 $0x0;
	s0 =	sshll.u32 s20, $0x7;
	[tilespmem:s28+$0x0] =	vst v0;
	v0 =	vmul.f32 $3.000000000e+00, v1  }
0x51: {  	s21 =	smul.u32 $0x4F, s6;
	s29 =	sadd.s32 s0, s2;
	v1 =	vld [tilespmem:s1+$0x10]  }
0x52: {  	[tilespmem:s29+$0x0] =	vst v0  }
0x53: {  	s6 =	sadd.s32 $0xED, s21;
	v0 =	vld [tilespmem:s1+$0xFFFFFF90]  }
0x54: {  	s30 =	simm.s32 $0xE80;
	s7 =	sadd.s32 $0x9E, s21;
	s0 =	sshrl.u32 s6, $0xB  }
0x55: {  	v2 =	vld [tilespmem:s30+$0x0];
	s5 =	sshrl.u32 s7, $0xB;
	s0 =	sand.u32 $0x1F, s0  }
0x56: {  	v3 =	vld [tilespmem:s30+$0xFFFFFF80];
	s5 =	sand.u32 $0x1F, s5;
	s0 =	smul.u32 $0x1A, s0;
	v1 =	vmul.f32 $3.000000000e+00, v1  }
0x57: {  	s5 =	smul.u32 $0x1A, s5  }
0x58: {  	s8 =	simm.s32 $0x2;
	s0 =	ssub.s32 $0x0, s0;
	[tilespmem:s28+$0x10] =	vst v1;
	v0 =	vmul.f32 $3.000000000e+00, v0  }
0x59: {  	s2 =	sshll.u32 s7, $0x1;
	s5 =	ssub.s32 $0x2, s5;
	s0 =	sadd.s32 $0x3, s0;
	v1 =	vld [tilespmem:s1+$0x20]  }
0x5a: {  	s6 =	smul.u32 $0x4F, s8;
	s2 =	sand.u32 $0x1F000, s2;
	s0 =	sand.u32 $0xFF, s0;
	[tilespmem:s29+$0x10] =	vst v0  }
0x5b: {  	v2 =	vmul.f32 $3.000000000e+00, v2;
	s5 =	sand.u32 $0xFF, s5;
	s2 =	sadd.s32 $0xDD00, s2;
	s0 =	sshll.u32 s0, $0x7;
	v0 =	vmul.f32 $3.000000000e+00, v3;
	v3 =	vld [tilespmem:s1+$0xFFFFFFA0]  }
0x5c: {  	s5 =	sshll.u32 s5, $0x7;
	s31 =	sadd.s32 s0, s2  }
0x5d: {  	s11 =	sadd.s32 $0xED, s6;
	s0 =	sadd.s32 s5, s2;
	[tilespmem:s31+$0x0] =	vst v2  }
0x5e: {  	s12 =	sshrl.u32 s11, $0xB;
	[tilespmem:s0+$0x0] =	vst v0;
	v0 =	vld [tilespmem:s30+$0x10];
	v1 =	vmul.f32 $3.000000000e+00, v1  }
0x5f: {  	s6 =	sadd.s32 $0x9E, s6;
	s2 =	simm.s32 $0xF80;
	s5 =	sand.u32 $0x1F, s12;
	v2 =	vld [tilespmem:s30+$0xFFFFFF90]  }
0x60: {  	s7 =	sshrl.u32 s6, $0xB;
	v5 =	vld [tilespmem:s2+$0xFFFFFF80];
	s8 =	smul.u32 $0x1A, s5;
	[tilespmem:s28+$0x20] =	vst v1;
	v1 =	vmul.f32 $3.000000000e+00, v3  }
0x61: {  	s7 =	sand.u32 $0x1F, s7;
	v4 =	vld [tilespmem:s2+$0x0]  }
0x62: {  	s6 =	sshll.u32 s6, $0x1;
	s7 =	smul.u32 $0x1A, s7;
	s8 =	ssub.s32 $0x2, s8;
	v6 =	vld [tilespmem:s1+$0x30];
	[tilespmem:s29+$0x20] =	vst v1  }
0x63: {  	s6 =	sand.u32 $0x1F000, s6;
	s8 =	sadd.s32 $0x3, s8;
	v3 =	vmul.f32 $3.000000000e+00, v0;
	v0 =	vld [tilespmem:s1+$0xFFFFFFB0]  }
0x64: {  	s6 =	sadd.s32 $0xDD00, s6;
	s7 =	ssub.s32 $0x4, s7;
	s20 =	sand.u32 $0xFF, s8;
	v1 =	vmul.f32 $3.000000000e+00, v2  }
0x65: {  	s7 =	sand.u32 $0xFF, s7;
	s5 =	simm.s32 $0x4;
	s20 =	sshll.u32 s20, $0x7;
	[tilespmem:s31+$0x10] =	vst v3  }
0x66: {  	s21 =	sshll.u32 s7, $0x7;
	s7 =	simm.s32 $0x6;
	v4 =	vmul.f32 $3.000000000e+00, v4;
	s8 =	sadd.s32 s20, s6;
	[tilespmem:s0+$0x10] =	vst v1;
	v2 =	vld [tilespmem:s30+$0x20]  }
0x67: {  	v5 =	vmul.f32 $3.000000000e+00, v5;
	s20 =	simm.s32 $0xF80;
	s1 =	sadd.s32 s21, s6;
	s6 =	simm.s32 $0x6;
	v3 =	vld [tilespmem:s30+$0xFFFFFFA0];
	v1 =	vmul.f32 $3.000000000e+00, v6  }
.LBB2_8:
0x68: {  	s21 =	smul.u32 $0x4F, s5;
	[tilespmem:s8+$0x0] =	vst v4;
	v0 =	vmul.f32 $3.000000000e+00, v0;
	s11 =	smov.u32 s7;
	s7 =	sadd.s32 $0x2, s7  }
0x69: {  	p0 =	slt.u32 s7, $0xCE;
	[tilespmem:s1+$0x0] =	vst v5;
	v4 =	vld [tilespmem:s2+$0x10]  }
0x6a: {  	s2 =	sadd.s32 $0x100, s2;
	s12 =	sadd.s32 $0x9E, s21;
	s21 =	sadd.s32 $0xED, s21;
	v5 =	vld [tilespmem:s20+$0xFFFFFF90];
	[tilespmem:s29+$0x30] =	vst v0  }
0x6b: {  	s29 =	sshrl.u32 s12, $0xB;
	s12 =	sshll.u32 s12, $0x1;
	s21 =	sshrl.u32 s21, $0xB;
	v0 =	vmul.f32 $3.000000000e+00, v2;
	[tilespmem:s28+$0x30] =	vst v1  }
0x6c: {  	s28 =	sand.u32 $0x1F, s29;
	v1 =	vld [tilespmem:s2+$0xFFFFFF80];
	s12 =	sand.u32 $0x1F000, s12;
	s21 =	sand.u32 $0x1F, s21;
	v2 =	vmul.f32 $3.000000000e+00, v3  }
0x6d: {  	s29 =	smov.u32 s0;
	s0 =	smov.u32 s1;
	s21 =	smul.u32 $0x1A, s21;
	v3 =	vld [tilespmem:s2+$0x0];
	[tilespmem:s31+$0x20] =	vst v0  }
0x6e: {  	s1 =	smul.u32 $0x1A, s28;
	s28 =	smov.u32 s31;
	s31 =	smov.u32 s8;
	[tilespmem:s29+$0x20] =	vst v2;
	v6 =	vld [tilespmem:s30+$0x30]  }
.Ltmp2:
0x6f: {  	v4 =	vmul.f32 $3.000000000e+00, v4;
	s8 =	ssub.s32 s5, s21;
	v2 =	vmul.f32 $3.000000000e+00, v5;
	v0 =	vld [tilespmem:s30+$0xFFFFFFB0];
	s5 =	smov.u32 s11;
	(pc) =	sbr.rel @p0 .LBB2_8-.Ltmp2, $4  }
0x70: {  	s1 =	ssub.s32 s6, s1;
	s6 =	smov.u32 s7;
	s8 =	sadd.s32 $0x3, s8  }
0x71: {  	s30 =	smov.u32 s20;
	s1 =	sand.u32 $0xFF, s1;
	s8 =	sand.u32 $0xFF, s8;
	[tilespmem:s31+$0x10] =	vst v4  }
0x72: {  	s11 =	sadd.s32 $0xDD00, s12;
	s1 =	sshll.u32 s1, $0x7;
	v4 =	vmul.f32 $3.000000000e+00, v3;
	s8 =	sshll.u32 s8, $0x7;
	[tilespmem:s0+$0x10] =	vst v2;
	v2 =	vld [tilespmem:s30+$0x20]  }
0x73: {  	s20 =	smov.u32 s2;
	v5 =	vmul.f32 $3.000000000e+00, v1;
	s1 =	sadd.s32 s1, s11;
	s8 =	sadd.s32 s8, s11;
	v3 =	vld [tilespmem:s30+$0xFFFFFFA0];
	v1 =	vmul.f32 $3.000000000e+00, v6  }
0x74: {  	s7 =	smul.u32 $0x4F, s5;
	_ =	sdelay $0x1  }
0x75: {  	s11 =	sadd.s32 $0xED, s7  }
0x76: {  	s7 =	sadd.s32 $0x9E, s7;
	s11 =	sshrl.u32 s11, $0xB  }
0x77: {  	s12 =	sadd.s32 $0x100, s2;
	s21 =	sshrl.u32 s7, $0xB;
	s11 =	sand.u32 $0x1F, s11  }
0x78: {  	v6 =	vld [tilespmem:s12+$0xFFFFFF80];
	s21 =	sand.u32 $0x1F, s21;
	s11 =	smul.u32 $0x1A, s11  }
0x79: {  	v7 =	vld [tilespmem:s12+$0x0];
	s21 =	smul.u32 $0x1A, s21;
	_ =	sdelay $0x1  }
0x7a: {  	s7 =	sshll.u32 s7, $0x1;
	s11 =	ssub.s32 s5, s11;
	s6 =	ssub.s32 s6, s21  }
0x7b: {  	s7 =	sand.u32 $0x1F000, s7;
	s5 =	sadd.s32 $0x3, s11;
	s6 =	sand.u32 $0xFF, s6  }
0x7c: {  	[tilespmem:s8+$0x0] =	vst v4;
	s7 =	sadd.s32 $0xDD00, s7;
	v44 =	vmul.f32 $3.000000000e+00, v6;
	s5 =	sand.u32 $0xFF, s5;
	s6 =	sshll.u32 s6, $0x7  }
0x7d: {  	[tilespmem:s1+$0x0] =	vst v5;
	v47 =	vld [tilespmem:s2+$0x10];
	v46 =	vmul.f32 $3.000000000e+00, v7;
	s5 =	sshll.u32 s5, $0x7;
	s6 =	sadd.s32 s6, s7  }
0x7e: {  	v45 =	vld [tilespmem:s20+$0xFFFFFF90];
	s7 =	sadd.s32 s5, s7;
	[tilespmem:s6+$0x0] =	vst v44  }
0x7f: {  	[tilespmem:s7+$0x0] =	vst v46;
	v5 =	vld [tilespmem:s12+$0xFFFFFF90]  }
0x80: {  	v6 =	vld [tilespmem:s12+$0x10];
	_ =	sdelay $0x1  }
0x81: {  	v7 =	vmul.f32 $3.000000000e+00, v47  }
0x82: {  	v4 =	vmul.f32 $3.000000000e+00, v45  }
0x83: {  	[tilespmem:s8+$0x10] =	vst v7;
	v48 =	vmul.f32 $3.000000000e+00, v5  }
0x84: {  	[tilespmem:s1+$0x10] =	vst v4;
	v7 =	vld [tilespmem:s20+$0x20];
	v6 =	vmul.f32 $3.000000000e+00, v6  }
0x85: {  	v49 =	vld [tilespmem:s20+$0xFFFFFFA0];
	[tilespmem:s6+$0x10] =	vst v48  }
0x86: {  	[tilespmem:s7+$0x10] =	vst v6;
	v4 =	vld [tilespmem:s12+$0xFFFFFFA0]  }
0x87: {  	v2 =	vmul.f32 $3.000000000e+00, v2;
	v6 =	vld [tilespmem:s12+$0x20]  }
0x88: {  	v3 =	vmul.f32 $3.000000000e+00, v3  }
0x89: {  	[tilespmem:s31+$0x20] =	vst v2;
	v52 =	vmul.f32 $3.000000000e+00, v7  }
0x8a: {  	[tilespmem:s0+$0x20] =	vst v3;
	v53 =	vld [tilespmem:s30+$0x30];
	v50 =	vmul.f32 $3.000000000e+00, v49  }
0x8b: {  	v51 =	vld [tilespmem:s30+$0xFFFFFFB0];
	[tilespmem:s8+$0x20] =	vst v52;
	v4 =	vmul.f32 $3.000000000e+00, v4  }
0x8c: {  	[tilespmem:s1+$0x20] =	vst v50;
	v55 =	vld [tilespmem:s20+$0x30];
	v6 =	vmul.f32 $3.000000000e+00, v6  }
0x8d: {  	v54 =	vld [tilespmem:s20+$0xFFFFFFB0];
	[tilespmem:s6+$0x20] =	vst v4  }
0x8e: {  	v0 =	vmul.f32 $3.000000000e+00, v0;
	[tilespmem:s7+$0x20] =	vst v6;
	v56 =	vld [tilespmem:s12+$0xFFFFFFB0]  }
0x8f: {  	[tilespmem:s28+$0x30] =	vst v1;
	v59 =	vmul.f32 $3.000000000e+00, v53;
	v58 =	vld [tilespmem:s12+$0x30]  }
0x90: {  	[tilespmem:s29+$0x30] =	vst v0;
	v57 =	vmul.f32 $3.000000000e+00, v51  }
0x91: {  	[tilespmem:s31+$0x30] =	vst v59;
	v61 =	vmul.f32 $3.000000000e+00, v55  }
0x92: {  	[tilespmem:s0+$0x30] =	vst v57;
	v60 =	vmul.f32 $3.000000000e+00, v54  }
0x93: {  	[tilespmem:s8+$0x30] =	vst v61;
	v62 =	vmul.f32 $3.000000000e+00, v56  }
0x94: {  	[tilespmem:s1+$0x30] =	vst v60;
	v63 =	vmul.f32 $3.000000000e+00, v58  }
0x95: {  	s8 =	sshll.u32 s23, $0xD;
	[tilespmem:s6+$0x30] =	vst v62  }
0x96: {  	s11 =	simm.s32 $0xDD00;
	s0 =	sadd.s32 s8, s22;
	s1 =	simm.s32 $0x0;
	[tilespmem:s7+$0x30] =	vst v63  }
0x97: {  	[hbm4b:s0+s1] =	stream.linear.scatter [tilespmem:s11], [sflag:$0x3], $0xD00, $0x38;
	[tilespmem:$0x15D00] =	vst v63  }
0x98: {  	s20 =	simm.s32 $0xED00;
	s12 =	sadd.s32 $0x200, s0  }
0x99: {  	[hbm4b:s12+s1] =	stream.linear.scatter [tilespmem:s20], [sflag:$0x3], $0xD00, $0x38;
	[tilespmem:$0x15D00] =	vst v63  }
0x9a: {  	s21 =	sadd.s32 $0x400, s0  }
0x9b: {  	[hbm4b:s21+s1] =	stream.linear.scatter [tilespmem:s13], [sflag:$0x3], $0xD00, $0x38;
	[tilespmem:$0x15D00] =	vst v63  }
0x9c: {  	s28 =	sadd.s32 $0x600, s0  }
0x9d: {  	[hbm4b:s28+s1] =	stream.linear.scatter [tilespmem:s14], [sflag:$0x3], $0xD00, $0x38;
	[tilespmem:$0x15D00] =	vst v63  }
0x9e: {  	s29 =	sadd.s32 $0x800, s0  }
0x9f: {  	[hbm4b:s29+s1] =	stream.linear.scatter [tilespmem:s15], [sflag:$0x3], $0xD00, $0x38;
	[tilespmem:$0x15D00] =	vst v63  }
0xa0: {  	s30 =	sadd.s32 $0xA00, s0  }
0xa1: {  	[hbm4b:s30+s1] =	stream.linear.scatter [tilespmem:s16], [sflag:$0x3], $0xD00, $0x38;
	[tilespmem:$0x15D00] =	vst v63  }
0xa2: {  	p0 =	seq.s32 s23, $0x3;
	s31 =	sadd.s32 $0xC00, s0  }
0xa3: {  	[hbm4b:s31+s1] =	stream.linear.scatter [tilespmem:s17], [sflag:$0x3], $0xD00, $0x38;
	[tilespmem:$0x15D00] =	vst v63  }
.Ltmp3:
0xa4: {  	s0 =	sadd.s32 $0xE00, s0;
	(pc) =	sbr.rel @p0 .LBB2_13-.Ltmp3, $4  }
0xa5: {  	[hbm4b:s0+s1] =	stream.linear.scatter [tilespmem:s18], [sflag:$0x3], $0xD00, $0x38;
	[tilespmem:$0x15D00] =	vst v63  }
0xa6: {  	_ =	swait.ge [sflag:s9], $0x6800  }
0xa7: {  	[sflag:s9] =	ssyncset.done $0x0  }
0xa8: {  	s0 =	simm.s32 $0xD00;
	[sflag:s9] =	ssyncadd.s32 $0xFFFF9800  }
0xa9: {  	s2 =	sshra.s32 s1, $0x2  }
0xaa: {  	s2 =	sld [smem:s25+s2];
	_ =	sdelay $0x2  }
0xab: {  	s5 =	sadd.s32 $0x4, s1;
	s2 =	sshll.u32 s2, $0x4  }
0xac: {  	s31 =	sshra.s32 s5, $0x2;
	s2 =	sand.u32 $0x1FFFFFF0, s2  }
0xad: {  	s1 =	sld [smem:s25+s31];
	s30 =	sadd.s32 s4, s2;
	s2 =	sadd.s32 $0x4, s5  }
0xae: {  	[tilespmem:s0], [sflag:$0x1] =	stream.linear.gather [hbm4b:s30+s3], $0x80, $0x38;
	[tilespmem:$0x15D00] =	vst v63  }
.LBB2_11:
0xaf: {  	p0 =	sne.s32 s2, $0x33C  }
.Ltmp4:
0xb0: {  	_ = 	snop;
	(pc) =	sbr.rel @p0 .LBB2_11-.Ltmp4, $4  }
0xb1: {  	s6 =	sshll.u32 s1, $0x4  }
0xb2: {  	s5 =	sshra.s32 s2, $0x2;
	s0 =	sadd.s32 $0x80, s0;
	s31 =	sand.u32 $0x1FFFFFF0, s6  }
0xb3: {  	s2 =	sadd.s32 $0x4, s2;
	s1 =	sld [smem:s25+s5];
	s5 =	sadd.s32 s4, s31  }
0xb4: {  	[tilespmem:s0], [sflag:$0x1] =	stream.linear.gather [hbm4b:s5+s3], $0x80, $0x38;
	[tilespmem:$0x15D00] =	vst v63  }
0xb5: {  	_ = 	snop  }
0xb6: {  	s1 =	sshll.u32 s1, $0x4  }
0xb7: {  	s1 =	sand.u32 $0x1FFFFFF0, s1  }
0xb8: {  	s0 =	sadd.s32 $0x80, s0;
	s1 =	sadd.s32 s4, s1  }
0xb9: {  	[tilespmem:s0], [sflag:$0x1] =	stream.linear.gather [hbm4b:s1+s3], $0x80, $0x38;
	[tilespmem:$0x15D00] =	vst v63  }
.LBB2_13:
0xba: {  	s0 =	simm.s32 $0xFFFFFFFE  }
0xbb: {  	s0 =	smul.u32 $0x4F, s0;
	_ =	sdelay $0x1  }
0xbc: {  	_ =	swait.ge [sflag:s19], $0x6800;
	s1 =	sadd.s32 $0xED, s0  }
0xbd: {  	[sflag:s19] =	ssyncset.done $0x0;
	s2 =	sshrl.u32 s1, $0xB  }
0xbe: {  	[sflag:s19] =	ssyncadd.s32 $0xFFFF9800;
	s1 =	simm.s32 $0x7580;
	s2 =	sand.u32 $0x1F, s2  }
0xbf: {  	s0 =	sadd.s32 $0x9E, s0;
	v0 =	vld [tilespmem:s1+$0x0];
	s2 =	smul.u32 $0x1A, s2  }
0xc0: {  	s5 =	sshrl.u32 s0, $0xB  }
0xc1: {  	s5 =	sand.u32 $0x1F, s5;
	v1 =	vld [tilespmem:s1+$0xFFFFFF80];
	s2 =	ssub.s32 $0xFFFFFFFE, s2  }
0xc2: {  	s0 =	sshll.u32 s0, $0x1;
	s5 =	smul.u32 $0x1A, s5;
	s2 =	sadd.s32 $0x3, s2  }
0xc3: {  	s0 =	sand.u32 $0x1F000, s0;
	s2 =	sand.u32 $0xFF, s2  }
0xc4: {  	s0 =	sadd.s32 $0xDD00, s0;
	s5 =	ssub.s32 $0x0, s5;
	v0 =	vmul.f32 $3.000000000e+00, v0;
	s2 =	sshll.u32 s2, $0x7  }
0xc5: {  	s20 =	sand.u32 $0xFF, s5;
	s28 =	sadd.s32 s2, s0  }
0xc6: {  	s6 =	simm.s32 $0x0;
	s2 =	sshll.u32 s20, $0x7;
	[tilespmem:s28+$0x0] =	vst v0;
	v0 =	vmul.f32 $3.000000000e+00, v1  }
0xc7: {  	s21 =	smul.u32 $0x4F, s6;
	s29 =	sadd.s32 s2, s0;
	v1 =	vld [tilespmem:s1+$0x10]  }
0xc8: {  	[tilespmem:s29+$0x0] =	vst v0  }
0xc9: {  	s6 =	sadd.s32 $0xED, s21;
	v0 =	vld [tilespmem:s1+$0xFFFFFF90]  }
0xca: {  	s31 =	simm.s32 $0x7680;
	s7 =	sadd.s32 $0x9E, s21;
	s0 =	sshrl.u32 s6, $0xB  }
0xcb: {  	v2 =	vld [tilespmem:s31+$0x0];
	s5 =	sshrl.u32 s7, $0xB;
	s0 =	sand.u32 $0x1F, s0  }
0xcc: {  	v3 =	vld [tilespmem:s31+$0xFFFFFF80];
	s5 =	sand.u32 $0x1F, s5;
	s0 =	smul.u32 $0x1A, s0;
	v1 =	vmul.f32 $3.000000000e+00, v1  }
0xcd: {  	s5 =	smul.u32 $0x1A, s5  }
0xce: {  	s8 =	simm.s32 $0x2;
	s0 =	ssub.s32 $0x0, s0;
	[tilespmem:s28+$0x10] =	vst v1;
	v0 =	vmul.f32 $3.000000000e+00, v0  }
0xcf: {  	s2 =	sshll.u32 s7, $0x1;
	s5 =	ssub.s32 $0x2, s5;
	s0 =	sadd.s32 $0x3, s0;
	v1 =	vld [tilespmem:s1+$0x20]  }
0xd0: {  	s6 =	smul.u32 $0x4F, s8;
	s2 =	sand.u32 $0x1F000, s2;
	s0 =	sand.u32 $0xFF, s0;
	[tilespmem:s29+$0x10] =	vst v0  }
0xd1: {  	v2 =	vmul.f32 $3.000000000e+00, v2;
	s5 =	sand.u32 $0xFF, s5;
	s2 =	sadd.s32 $0xDD00, s2;
	s0 =	sshll.u32 s0, $0x7;
	v0 =	vmul.f32 $3.000000000e+00, v3;
	v3 =	vld [tilespmem:s1+$0xFFFFFFA0]  }
0xd2: {  	s5 =	sshll.u32 s5, $0x7;
	s30 =	sadd.s32 s0, s2  }
0xd3: {  	s11 =	sadd.s32 $0xED, s6;
	s6 =	sadd.s32 $0x9E, s6;
	s0 =	sadd.s32 s5, s2;
	[tilespmem:s30+$0x0] =	vst v2  }
0xd4: {  	s7 =	sshrl.u32 s6, $0xB;
	[tilespmem:s0+$0x0] =	vst v0;
	v0 =	vld [tilespmem:s31+$0x10];
	v1 =	vmul.f32 $3.000000000e+00, v1  }
0xd5: {  	s12 =	sshrl.u32 s11, $0xB;
	s7 =	sand.u32 $0x1F, s7;
	s2 =	simm.s32 $0x7780;
	v2 =	vld [tilespmem:s31+$0xFFFFFF90]  }
0xd6: {  	s7 =	smul.u32 $0x1A, s7;
	s5 =	sand.u32 $0x1F, s12;
	v5 =	vld [tilespmem:s2+$0xFFFFFF80];
	[tilespmem:s28+$0x20] =	vst v1;
	v1 =	vmul.f32 $3.000000000e+00, v3  }
0xd7: {  	s8 =	smul.u32 $0x1A, s5;
	v4 =	vld [tilespmem:s2+$0x0]  }
0xd8: {  	s6 =	sshll.u32 s6, $0x1;
	v6 =	vld [tilespmem:s1+$0x30];
	[tilespmem:s29+$0x20] =	vst v1  }
0xd9: {  	s6 =	sand.u32 $0x1F000, s6;
	s7 =	ssub.s32 $0x4, s7;
	s8 =	ssub.s32 $0x2, s8;
	v3 =	vmul.f32 $3.000000000e+00, v0;
	v0 =	vld [tilespmem:s1+$0xFFFFFFB0]  }
0xda: {  	s6 =	sadd.s32 $0xDD00, s6;
	s7 =	sand.u32 $0xFF, s7;
	s8 =	sadd.s32 $0x3, s8;
	v1 =	vmul.f32 $3.000000000e+00, v2  }
0xdb: {  	s5 =	simm.s32 $0x4;
	s21 =	sshll.u32 s7, $0x7;
	s20 =	sand.u32 $0xFF, s8;
	[tilespmem:s30+$0x10] =	vst v3  }
0xdc: {  	s7 =	simm.s32 $0x6;
	v4 =	vmul.f32 $3.000000000e+00, v4;
	s11 =	sshll.u32 s20, $0x7;
	s20 =	simm.s32 $0x7780;
	[tilespmem:s0+$0x10] =	vst v1;
	v2 =	vld [tilespmem:s31+$0x20]  }
0xdd: {  	v5 =	vmul.f32 $3.000000000e+00, v5;
	s8 =	sadd.s32 s11, s6;
	s1 =	sadd.s32 s21, s6;
	s6 =	simm.s32 $0x6;
	v3 =	vld [tilespmem:s31+$0xFFFFFFA0];
	v1 =	vmul.f32 $3.000000000e+00, v6  }
.LBB2_14:
0xde: {  	s11 =	smul.u32 $0x4F, s5;
	[tilespmem:s8+$0x0] =	vst v4;
	v0 =	vmul.f32 $3.000000000e+00, v0;
	s12 =	smov.u32 s7;
	s7 =	sadd.s32 $0x2, s7  }
0xdf: {  	p0 =	slt.u32 s7, $0xCE;
	[tilespmem:s1+$0x0] =	vst v5;
	v4 =	vld [tilespmem:s2+$0x10]  }
0xe0: {  	s2 =	sadd.s32 $0x100, s2;
	s21 =	sadd.s32 $0x9E, s11;
	s11 =	sadd.s32 $0xED, s11;
	v5 =	vld [tilespmem:s20+$0xFFFFFF90];
	[tilespmem:s29+$0x30] =	vst v0  }
0xe1: {  	s29 =	sshrl.u32 s21, $0xB;
	s21 =	sshll.u32 s21, $0x1;
	s11 =	sshrl.u32 s11, $0xB;
	v0 =	vmul.f32 $3.000000000e+00, v2;
	[tilespmem:s28+$0x30] =	vst v1  }
0xe2: {  	s28 =	sand.u32 $0x1F, s29;
	v1 =	vld [tilespmem:s2+$0xFFFFFF80];
	s21 =	sand.u32 $0x1F000, s21;
	s11 =	sand.u32 $0x1F, s11;
	v2 =	vmul.f32 $3.000000000e+00, v3  }
0xe3: {  	s29 =	smov.u32 s0;
	s0 =	smov.u32 s1;
	s11 =	smul.u32 $0x1A, s11;
	v3 =	vld [tilespmem:s2+$0x0];
	[tilespmem:s30+$0x20] =	vst v0  }
0xe4: {  	s1 =	smul.u32 $0x1A, s28;
	s28 =	smov.u32 s30;
	s30 =	smov.u32 s8;
	[tilespmem:s29+$0x20] =	vst v2;
	v6 =	vld [tilespmem:s31+$0x30]  }
.Ltmp5:
0xe5: {  	v4 =	vmul.f32 $3.000000000e+00, v4;
	s8 =	ssub.s32 s5, s11;
	v2 =	vmul.f32 $3.000000000e+00, v5;
	v0 =	vld [tilespmem:s31+$0xFFFFFFB0];
	s5 =	smov.u32 s12;
	(pc) =	sbr.rel @p0 .LBB2_14-.Ltmp5, $4  }
0xe6: {  	s1 =	ssub.s32 s6, s1;
	s6 =	smov.u32 s7;
	s8 =	sadd.s32 $0x3, s8  }
0xe7: {  	s31 =	smov.u32 s20;
	s1 =	sand.u32 $0xFF, s1;
	s8 =	sand.u32 $0xFF, s8;
	[tilespmem:s30+$0x10] =	vst v4  }
0xe8: {  	s11 =	sadd.s32 $0xDD00, s21;
	s1 =	sshll.u32 s1, $0x7;
	v4 =	vmul.f32 $3.000000000e+00, v3;
	s8 =	sshll.u32 s8, $0x7;
	[tilespmem:s0+$0x10] =	vst v2;
	v2 =	vld [tilespmem:s31+$0x20]  }
0xe9: {  	s20 =	smov.u32 s2;
	v5 =	vmul.f32 $3.000000000e+00, v1;
	s1 =	sadd.s32 s1, s11;
	s8 =	sadd.s32 s8, s11;
	v3 =	vld [tilespmem:s31+$0xFFFFFFA0];
	v1 =	vmul.f32 $3.000000000e+00, v6  }
0xea: {  	s7 =	smul.u32 $0x4F, s5;
	_ =	sdelay $0x1  }
0xeb: {  	s11 =	sadd.s32 $0xED, s7  }
0xec: {  	s7 =	sadd.s32 $0x9E, s7;
	s11 =	sshrl.u32 s11, $0xB  }
0xed: {  	s12 =	sadd.s32 $0x100, s2;
	s21 =	sshrl.u32 s7, $0xB;
	s11 =	sand.u32 $0x1F, s11  }
0xee: {  	v6 =	vld [tilespmem:s12+$0xFFFFFF80];
	s21 =	sand.u32 $0x1F, s21;
	s11 =	smul.u32 $0x1A, s11  }
0xef: {  	v7 =	vld [tilespmem:s12+$0x0];
	s21 =	smul.u32 $0x1A, s21;
	_ =	sdelay $0x1  }
0xf0: {  	s7 =	sshll.u32 s7, $0x1;
	s11 =	ssub.s32 s5, s11;
	s6 =	ssub.s32 s6, s21  }
0xf1: {  	s7 =	sand.u32 $0x1F000, s7;
	s5 =	sadd.s32 $0x3, s11;
	s6 =	sand.u32 $0xFF, s6  }
0xf2: {  	[tilespmem:s8+$0x0] =	vst v4;
	s7 =	sadd.s32 $0xDD00, s7;
	v45 =	vmul.f32 $3.000000000e+00, v6;
	s5 =	sand.u32 $0xFF, s5;
	s6 =	sshll.u32 s6, $0x7  }
0xf3: {  	[tilespmem:s1+$0x0] =	vst v5;
	v48 =	vld [tilespmem:s2+$0x10];
	v47 =	vmul.f32 $3.000000000e+00, v7;
	s5 =	sshll.u32 s5, $0x7;
	s6 =	sadd.s32 s6, s7  }
0xf4: {  	v46 =	vld [tilespmem:s20+$0xFFFFFF90];
	s7 =	sadd.s32 s5, s7;
	[tilespmem:s6+$0x0] =	vst v45  }
0xf5: {  	[tilespmem:s7+$0x0] =	vst v47;
	v5 =	vld [tilespmem:s12+$0xFFFFFF90]  }
0xf6: {  	v6 =	vld [tilespmem:s12+$0x10];
	_ =	sdelay $0x1  }
0xf7: {  	v7 =	vmul.f32 $3.000000000e+00, v48  }
0xf8: {  	v4 =	vmul.f32 $3.000000000e+00, v46  }
0xf9: {  	[tilespmem:s8+$0x10] =	vst v7;
	v49 =	vmul.f32 $3.000000000e+00, v5  }
0xfa: {  	[tilespmem:s1+$0x10] =	vst v4;
	v7 =	vld [tilespmem:s20+$0x20];
	v6 =	vmul.f32 $3.000000000e+00, v6  }
0xfb: {  	v50 =	vld [tilespmem:s20+$0xFFFFFFA0];
	[tilespmem:s6+$0x10] =	vst v49  }
0xfc: {  	[tilespmem:s7+$0x10] =	vst v6;
	v4 =	vld [tilespmem:s12+$0xFFFFFFA0]  }
0xfd: {  	v2 =	vmul.f32 $3.000000000e+00, v2;
	v6 =	vld [tilespmem:s12+$0x20]  }
0xfe: {  	v3 =	vmul.f32 $3.000000000e+00, v3  }
0xff: {  	[tilespmem:s30+$0x20] =	vst v2;
	v53 =	vmul.f32 $3.000000000e+00, v7  }
0x100: {  	[tilespmem:s0+$0x20] =	vst v3;
	v54 =	vld [tilespmem:s31+$0x30];
	v51 =	vmul.f32 $3.000000000e+00, v50  }
0x101: {  	v52 =	vld [tilespmem:s31+$0xFFFFFFB0];
	[tilespmem:s8+$0x20] =	vst v53;
	v55 =	vmul.f32 $3.000000000e+00, v4  }
0x102: {  	[tilespmem:s1+$0x20] =	vst v51;
	v58 =	vld [tilespmem:s20+$0x30];
	v57 =	vmul.f32 $3.000000000e+00, v6  }
0x103: {  	v56 =	vld [tilespmem:s20+$0xFFFFFFB0];
	[tilespmem:s6+$0x20] =	vst v55  }
0x104: {  	v0 =	vmul.f32 $3.000000000e+00, v0;
	[tilespmem:s7+$0x20] =	vst v57;
	v3 =	vld [tilespmem:s12+$0xFFFFFFB0]  }
0x105: {  	[tilespmem:s28+$0x30] =	vst v1;
	v60 =	vmul.f32 $3.000000000e+00, v54;
	v59 =	vld [tilespmem:s12+$0x30]  }
0x106: {  	[tilespmem:s29+$0x30] =	vst v0;
	v2 =	vmul.f32 $3.000000000e+00, v52  }
0x107: {  	[tilespmem:s30+$0x30] =	vst v60;
	v62 =	vmul.f32 $3.000000000e+00, v58  }
0x108: {  	[tilespmem:s0+$0x30] =	vst v2;
	v61 =	vmul.f32 $3.000000000e+00, v56  }
0x109: {  	[tilespmem:s8+$0x30] =	vst v62;
	v63 =	vmul.f32 $3.000000000e+00, v3  }
0x10a: {  	[tilespmem:s1+$0x30] =	vst v61;
	v0 =	vmul.f32 $3.000000000e+00, v59  }
0x10b: {  	s11 =	sshll.u32 s26, $0xC;
	[tilespmem:s6+$0x30] =	vst v63  }
0x10c: {  	s0 =	sadd.s32 s11, s22;
	s12 =	simm.s32 $0xDD00;
	[tilespmem:s7+$0x30] =	vst v0  }
0x10d: {  	[hbm4b:s0+s3] =	stream.linear.scatter [tilespmem:s12], [sflag:$0x3], $0xD00, $0x38;
	[tilespmem:$0x15D00] =	vst v63  }
0x10e: {  	s21 =	simm.s32 $0xED00;
	s20 =	sadd.s32 $0x200, s0  }
0x10f: {  	[hbm4b:s20+s3] =	stream.linear.scatter [tilespmem:s21], [sflag:$0x3], $0xD00, $0x38;
	[tilespmem:$0x15D00] =	vst v63  }
0x110: {  	s26 =	sadd.s32 $0x400, s0  }
0x111: {  	[hbm4b:s26+s3] =	stream.linear.scatter [tilespmem:s13], [sflag:$0x3], $0xD00, $0x38;
	[tilespmem:$0x15D00] =	vst v63  }
0x112: {  	s28 =	sadd.s32 $0x600, s0  }
0x113: {  	[hbm4b:s28+s3] =	stream.linear.scatter [tilespmem:s14], [sflag:$0x3], $0xD00, $0x38;
	[tilespmem:$0x15D00] =	vst v63  }
0x114: {  	s29 =	sadd.s32 $0x800, s0  }
0x115: {  	[hbm4b:s29+s3] =	stream.linear.scatter [tilespmem:s15], [sflag:$0x3], $0xD00, $0x38;
	[tilespmem:$0x15D00] =	vst v63  }
0x116: {  	s23 =	sadd.s32 $0x1, s23;
	s30 =	sadd.s32 $0xA00, s0  }
0x117: {  	[hbm4b:s30+s3] =	stream.linear.scatter [tilespmem:s16], [sflag:$0x3], $0xD00, $0x38;
	[tilespmem:$0x15D00] =	vst v63  }
0x118: {  	p0 =	sne.s32 s23, $0x4;
	s31 =	sadd.s32 $0xC00, s0  }
0x119: {  	[hbm4b:s31+s3] =	stream.linear.scatter [tilespmem:s17], [sflag:$0x3], $0xD00, $0x38;
	[tilespmem:$0x15D00] =	vst v63  }
.Ltmp6:
0x11a: {  	s0 =	sadd.s32 $0xE00, s0;
	(pc) =	sbr.rel @p0 .LBB2_5-.Ltmp6, $4  }
0x11b: {  	[hbm4b:s0+s3] =	stream.linear.scatter [tilespmem:s18], [sflag:$0x3], $0xD00, $0x38;
	[tilespmem:$0x15D00] =	vst v63  }
0x11c: {  	_ =	swait.ge [sflag:s9], $0x6800  }
0x11d: {  	[sflag:s9] =	ssyncset.done $0x0  }
0x11e: {  	s24 =	sadd.s32 $0x1A0, s24;
	s25 =	sadd.s32 $0x1A0, s25;
	[sflag:s9] =	ssyncadd.s32 $0xFFFF9800  }
0x11f: {  	s0 =	rddreg [dreg:$0x9]  }
0x120: {  	s0 =	sadd.s32 $0x1, s0  }
0x121: {  	p0 =	sne.s32 s0, $0x8  }
.Ltmp7:
0x122: {  	_ = 	snop;
	(pc) =	sbr.rel @p0 .LBB2_2-.Ltmp7, $1  }
0x123: {  	_ =	sdelay $0x3  }
0x124: {  	s1 =	rddreg [dreg:$0x8]  }
0x125: {  	s0 =	rddreg [dreg:$0x7];
	s1 =	sadd.s32 $0x1, s1  }
0x126: {  	p0 =	sne.s32 s1, s0  }
.Ltmp8:
0x127: {  	_ = 	snop;
	(pc) =	sbr.rel @p0 .LBB2_1-.Ltmp8, $1  }
0x128: {  	_ =	sdelay $0x3  }
0x129: {  	_ =	sfence.sel $0x180000  }
0x12a: {  	[bflag:$0x0] =	sbarrier.arrive $0xFFFF  }
0x12b: {  	_ =	strace $0x90000047  }
0x12c: {  	s0 =	stileid.u32;
	[bflag:$0x2] =	sbarrier.arrive $0xFFFF  }
0x12d: {  	p0 =	sne.s32 s0, $0x0;
	s0 =	rddreg [dreg:$0x3]  }
0x12e: {  	s0 =	sadd.s32 @!p0 $0x100000, s0  }
0x12f: {  	[sflag:s0] =	ssyncadd.tile.s32 @!p0 $0x1;
	_ =	shalt  }
.Lfunc_end2:
_tile_overlayer_lowered:
.L_overlay_start_2:
0x130: {  	(tag) =	ssettag $0x2  }
0x131: {  	s0 =	rddreg [dreg:$0x0];
	s2 =	stileid.u32  }
0x132: {  	s1 =	rddreg [dreg:$0x1];
	p0 =	sne.s32 s2, $0x0  }
0x133: {  	s3 =	rddreg [dreg:$0x2];
	[bflag:$0x3] =	sbarrier.arrive $0xFFFF;
	s2 =	simm.s32 @!p0 $0x1C03  }
0x134: {  	[timem:s3], [sflag:s2] =	dma.local @!p0 [hbm:s0], s1  }
0x135: {  	s0 =	simm.s32 @!p0 $0x3  }
0x136: {  	_ =	swait.ge @!p0 [sflag:s0], s1  }
0x137: {  	s1 =	ssub.s32 @!p0 $0x0, s1;
	[sflag:s0] =	ssyncset.done @!p0 $0x0  }
0x138: {  	[sflag:s0] =	ssyncadd.s32 @!p0 s1  }
0x139: {  	[bflag:$0x3] =	sbarrier.arrive $0xFFFF  }
0x13a: {  	_ =	shalt  }

</sc_bundles>
